<compile_context>
chip_gen: v7x
topology: tpu7x:2x2x1
jax: 0.10.2.dev20260603
libtpu: 0.0.44.dev20260713+nightly
codegen_flags: <defaults>
</compile_context>

<pallas_src>
import functools

import jax
import jax.numpy as jnp
from jax import lax
from jax.experimental import pallas as pl
from jax.experimental.pallas import tpu as pltpu
from jax.experimental.pallas import tpu_sc as plsc

N_EMBED = 8192
EMBED_DIM = 256
COMMIT = 0.25

_BM = 1024
_BN = 512


_SPANS = ((0, 2736), (2736, 5472), (5472, 8192))


def _dist_body(z_ref, et_ref, z2_ref, e2_ref, idx_ref, loss_ref):
    zb = z_ref[...]
    z2 = z2_ref[...]
    mins = [jnp.full((_BM, 1), jnp.inf, jnp.float32) for _ in _SPANS]
    idxs = [jnp.zeros((_BM, 1), jnp.int32) for _ in _SPANS]
    for j in range(N_EMBED // _BN):
        c0 = j * _BN
        et = et_ref[c0:c0 + _BN, :]
        mm2 = lax.dot_general(zb, et, (((1,), (1,)), ((), ())),
                              preferred_element_type=jnp.float32)
        d = (z2 + e2_ref[:, c0:c0 + _BN]) + mm2
        cols = lax.broadcasted_iota(jnp.int32, (_BM, _BN), 1) + c0
        for w, (a, b) in enumerate(_SPANS):
            if c0 >= b or c0 + _BN <= a:
                continue
            if a <= c0 and c0 + _BN <= b:
                dw = d
            else:
                dw = jnp.where((cols >= a) & (cols < b), d, jnp.inf)
            tmin = jnp.min(dw, axis=1, keepdims=True)
            targ = jnp.min(jnp.where(dw == tmin, cols, jnp.int32(2**30)),
                           axis=1, keepdims=True)
            better = tmin < mins[w]
            mins[w] = jnp.where(better, tmin, mins[w])
            idxs[w] = jnp.where(better, targ, idxs[w])
    acc = jnp.full((_BM, 1), jnp.inf, jnp.float32)
    aidx = jnp.zeros((_BM, 1), jnp.int32)
    for w in range(len(_SPANS)):
        upd = mins[w] < acc
        q = mins[w].astype(jnp.bfloat16).astype(jnp.float32)
        acc = jnp.where(upd, q, acc)
        aidx = jnp.where(upd, idxs[w], aidx)
    idx_ref[...] = aidx.reshape(1, _BM)
    run_min = jnp.minimum(jnp.minimum(mins[0], mins[1]), mins[2])

    i = pl.program_id(0)

    @pl.when(i == 0)
    def _init():
        loss_ref[...] = jnp.zeros((1, 1), jnp.float32)

    loss_ref[...] += jnp.sum(run_min, keepdims=True)

    @pl.when(i == pl.num_programs(0) - 1)
    def _fin():
        total = jnp.float32(16384 * EMBED_DIM)
        loss_ref[...] = loss_ref[...] * (COMMIT / total)


def _argmin_distances(z_flat, et, z2, e2):
    m = z_flat.shape[0]
    grid = m // _BM
    return pl.pallas_call(
        _dist_body,
        grid=(grid,),
        in_specs=[
            pl.BlockSpec((_BM, EMBED_DIM), lambda i: (i, 0)),
            pl.BlockSpec((N_EMBED, EMBED_DIM), lambda i: (0, 0)),
            pl.BlockSpec((_BM, 1), lambda i: (i, 0)),
            pl.BlockSpec((1, N_EMBED), lambda i: (0, 0)),
        ],
        out_specs=[
            pl.BlockSpec((1, _BM), lambda i: (0, i)),
            pl.BlockSpec((1, 1), lambda i: (0, 0)),
        ],
        out_shape=[
            jax.ShapeDtypeStruct((1, m), jnp.int32),
            jax.ShapeDtypeStruct((1, 1), jnp.float32),
        ],
        compiler_params=pltpu.CompilerParams(
            dimension_semantics=("arbitrary",)),
    )(z_flat, et, z2, e2)


_NC = 2
_NS = 16
_NW = _NC * _NS
_ROWS_PER_W = 16384 // _NW
_CH = 256

@functools.cache
def _make_sc_gather():
    mesh = plsc.VectorSubcoreMesh(core_axis_name="c", subcore_axis_name="s")

    @functools.partial(
        pl.kernel,
        mesh=mesh,
        out_type=jax.ShapeDtypeStruct((16384, EMBED_DIM), jnp.float32),
        scratch_types=[
            pltpu.VMEM((_ROWS_PER_W,), jnp.int32),
            pltpu.VMEM((_CH, EMBED_DIM), jnp.float32),
            pltpu.SemaphoreType.DMA,
        ],
    )
    def _sc_gather(table_hbm, idx_hbm, out_hbm, idx_v, rows_v, sem):
        wid = lax.axis_index("s") * _NC + lax.axis_index("c")
        base = wid * _ROWS_PER_W
        pltpu.sync_copy(idx_hbm.at[pl.ds(base, _ROWS_PER_W)], idx_v)
        for c in range(_ROWS_PER_W // _CH):
            pltpu.async_copy(
                table_hbm.at[idx_v.at[pl.ds(c * _CH, _CH)]], rows_v, sem).wait()
            pltpu.sync_copy(rows_v, out_hbm.at[pl.ds(base + c * _CH, _CH)])

    return _sc_gather


def kernel(z, embeddings):
    b, h, w, cdim = z.shape
    z_flat = z.reshape(-1, cdim)
    z2 = jnp.sum(z_flat ** 2, axis=1, keepdims=True)
    e2 = jnp.sum(embeddings ** 2, axis=1)

    idx2, loss2 = _argmin_distances(
        z_flat.astype(jnp.bfloat16), (embeddings * -2.0).astype(jnp.bfloat16),
        z2, e2.reshape(1, -1))
    idx = idx2.reshape(-1)

    q = _make_sc_gather()(embeddings, idx)

    quantized = q.reshape(z.shape)
    quantized_st = z + (quantized - z)
    quantized_vectors = jnp.transpose(quantized_st, (0, 3, 1, 2))
    quantized_indices = idx.reshape(b, h, w)[:, None, :, :]
    loss = loss2[0, 0]
    return quantized_vectors, quantized_indices, loss

# --- scband reference (transcript-rebuilt; emitter-appended) ---
"""Pipeline reference for scband-quantizer-ema-36335423324705 (READ-ONLY COPY).

The authoritative reference and input builder live on the scoring server;
editing this copy changes nothing except your own understanding.
"""

import jax, jax.numpy as jnp
import numpy as np

N_EMBED = 8192
EMBED_DIM = 256
COMMIT = 0.25

def setup_inputs(seed: int = 0) -> dict:
    key = jax.random.key(seed)
    k1, k2 = jax.random.split(key)
    z = jax.random.normal(k1, (16, 32, 32, EMBED_DIM), dtype=jnp.float32)
    embeddings = jax.random.normal(k2, (N_EMBED, EMBED_DIM), dtype=jnp.float32)
    return {"z": z, "embeddings": embeddings}

def reference(z, embeddings):
    B, H, W, C = z.shape
    z_flat = z.reshape(-1, C)
    distances = (jnp.sum(z_flat ** 2, axis=1, keepdims=True)
                 + jnp.sum(embeddings ** 2, axis=1)
                 - 2.0 * jnp.matmul(z_flat, embeddings.T))
    encoding_indices = jnp.argmin(distances, axis=1)
    quantized = jnp.take(embeddings, encoding_indices, axis=0).reshape(z.shape)
    loss = COMMIT * jnp.mean((z - jax.lax.stop_gradient(quantized)) ** 2)
    quantized_st = z + jax.lax.stop_gradient(quantized - z)
    quantized_vectors = jnp.transpose(quantized_st, (0, 3, 1, 2))
    quantized_indices = encoding_indices.reshape(B, H, W)[:, None, :, :]
    return quantized_vectors, quantized_indices, loss

if __name__ == "__main__":
    import jax
    _d = setup_inputs()
    print(jax.jit(kernel)(*tuple(_d.values())))

</pallas_src>

<mosaic_0001>
#map = affine_map<(d0, d1) -> (0, 0)>
#map1 = affine_map<(d0, d1) -> (0)>
module attributes {stable_mosaic.version = 14 : i64} {
  func.func @_sc_gather(%arg0: i32, %arg1: i32, %arg2: memref<8192x256xf32, #tpu.memory_space<hbm>>, %arg3: memref<16384xi32, #tpu.memory_space<hbm>>, %arg4: memref<16384x256xf32, #tpu.memory_space<hbm>>, %arg5: memref<512xi32, #tpu.memory_space<vmem>>, %arg6: memref<256x256xf32, #tpu.memory_space<vmem>>, %arg7: memref<!tpu.dma_semaphore, #tpu.memory_space<semaphore_mem>>) attributes {dimension_semantics = [#tpu.dimension_semantics<core_parallel>, #tpu.dimension_semantics<subcore_parallel>], iteration_bounds = array<i64: 2, 16>, scalar_prefetch = 0 : i64, scratch_operands = 3 : i64, tpu.core_type = #tpu.core_type<sc_vector_subcore>, window_params = [{transform_indices = #map}, {transform_indices = #map1}, {transform_indices = #map}]} {
    %mul3A = arith.constant 2 : i32
    %mul3A_0 = arith.muli %arg1, %mul3A : i32
    %add3A = arith.addi %mul3A_0, %arg0 : i32
    %mul3A_1 = arith.constant 512 : i32
    %mul3A_2 = arith.muli %add3A, %mul3A_1 : i32
    "tpu.region"() ({
      %run_scoped3A = tpu.sem_alloc : memref<!tpu.dma_semaphore, #tpu.memory_space<semaphore_mem>>
      %dma_start3A_25 = tpu.memref_slice %arg3[%mul3A_2] : memref<16384xi32, #tpu.memory_space<hbm>> -> memref<512xi32, #tpu.memory_space<hbm>>
      %dma_start3A_26 = tpu.memref_slice %arg3[%mul3A_2] : memref<16384xi32, #tpu.memory_space<hbm>> -> memref<512xi32, #tpu.memory_space<hbm>>
      tpu.enqueue_dma source(%dma_start3A_26 : memref<512xi32, #tpu.memory_space<hbm>>) target(%arg5 : memref<512xi32, #tpu.memory_space<vmem>>) target_semaphore(%run_scoped3A : memref<!tpu.dma_semaphore, #tpu.memory_space<semaphore_mem>>)
      %dma_wait3A_27 = tpu.memref_slice %arg3[%mul3A_2] : memref<16384xi32, #tpu.memory_space<hbm>> -> memref<512xi32, #tpu.memory_space<hbm>>
      %dma_wait3A_28 = tpu.memref_slice %arg3[%mul3A_2] : memref<16384xi32, #tpu.memory_space<hbm>> -> memref<512xi32, #tpu.memory_space<hbm>>
      tpu.wait_dma2 semaphore(%run_scoped3A : memref<!tpu.dma_semaphore, #tpu.memory_space<semaphore_mem>>) src(%dma_wait3A_28 : memref<512xi32, #tpu.memory_space<hbm>>) dst(%arg5 : memref<512xi32, #tpu.memory_space<vmem>>)
      tpu.yield
    }) : () -> ()
    %dma_start3A = arith.constant 0 : i32
    %dma_start3A_3 = tpu.memref_slice %arg5[%dma_start3A] : memref<512xi32, #tpu.memory_space<vmem>> -> memref<256xi32, #tpu.memory_space<vmem>>
    %dma_start3A_4 = arith.constant 0 : i32
    %dma_start3A_5 = arith.constant 0 : i32
    %dma_start3A_6 = tpu.memref_slice %arg2[%dma_start3A_4, %dma_start3A_5] : memref<8192x256xf32, #tpu.memory_space<hbm>> -> memref<8192x256xf32, #tpu.memory_space<hbm>>
    tpu.enqueue_indirect_dma source(%dma_start3A_6 : memref<8192x256xf32, #tpu.memory_space<hbm>>) target(%arg6 : memref<256x256xf32, #tpu.memory_space<vmem>>) offsets(%dma_start3A_3 : memref<256xi32, #tpu.memory_space<vmem>>) semaphore(%arg7 : memref<!tpu.dma_semaphore, #tpu.memory_space<semaphore_mem>>)
    %dma_wait3A = arith.constant 0 : i32
    %dma_wait3A_7 = tpu.memref_slice %arg5[%dma_wait3A] : memref<512xi32, #tpu.memory_space<vmem>> -> memref<256xi32, #tpu.memory_space<vmem>>
    %dma_wait3A_8 = arith.constant 0 : i32
    %dma_wait3A_9 = arith.constant 0 : i32
    %dma_wait3A_10 = tpu.memref_slice %arg2[%dma_wait3A_8, %dma_wait3A_9] : memref<8192x256xf32, #tpu.memory_space<hbm>> -> memref<8192x256xf32, #tpu.memory_space<hbm>>
    tpu.wait_indirect_dma semaphore(%arg7 : memref<!tpu.dma_semaphore, #tpu.memory_space<semaphore_mem>>) src(%dma_wait3A_10 : memref<8192x256xf32, #tpu.memory_space<hbm>>) dst(%arg6 : memref<256x256xf32, #tpu.memory_space<vmem>>)
    %add3A_11 = arith.constant 0 : i32
    %add3A_12 = arith.addi %mul3A_2, %add3A_11 : i32
    "tpu.region"() ({
      %run_scoped3A = tpu.sem_alloc : memref<!tpu.dma_semaphore, #tpu.memory_space<semaphore_mem>>
      %dma_start3A_25 = arith.constant 0 : i32
      %dma_start3A_26 = tpu.memref_slice %arg4[%add3A_12, %dma_start3A_25] : memref<16384x256xf32, #tpu.memory_space<hbm>> -> memref<256x256xf32, #tpu.memory_space<hbm>>
      %dma_start3A_27 = arith.constant 0 : i32
      %dma_start3A_28 = tpu.memref_slice %arg4[%add3A_12, %dma_start3A_27] : memref<16384x256xf32, #tpu.memory_space<hbm>> -> memref<256x256xf32, #tpu.memory_space<hbm>>
      tpu.enqueue_dma source(%arg6 : memref<256x256xf32, #tpu.memory_space<vmem>>) target(%dma_start3A_28 : memref<256x256xf32, #tpu.memory_space<hbm>>) target_semaphore(%run_scoped3A : memref<!tpu.dma_semaphore, #tpu.memory_space<semaphore_mem>>)
      %dma_wait3A_29 = arith.constant 0 : i32
      %dma_wait3A_30 = tpu.memref_slice %arg4[%add3A_12, %dma_wait3A_29] : memref<16384x256xf32, #tpu.memory_space<hbm>> -> memref<256x256xf32, #tpu.memory_space<hbm>>
      %dma_wait3A_31 = arith.constant 0 : i32
      %dma_wait3A_32 = tpu.memref_slice %arg4[%add3A_12, %dma_wait3A_31] : memref<16384x256xf32, #tpu.memory_space<hbm>> -> memref<256x256xf32, #tpu.memory_space<hbm>>
      tpu.wait_dma2 semaphore(%run_scoped3A : memref<!tpu.dma_semaphore, #tpu.memory_space<semaphore_mem>>) src(%arg6 : memref<256x256xf32, #tpu.memory_space<vmem>>) dst(%dma_wait3A_32 : memref<256x256xf32, #tpu.memory_space<hbm>>)
      tpu.yield
    }) : () -> ()
    %dma_start3A_13 = arith.constant 256 : i32
    %dma_start3A_14 = tpu.memref_slice %arg5[%dma_start3A_13] : memref<512xi32, #tpu.memory_space<vmem>> -> memref<256xi32, #tpu.memory_space<vmem>>
    %dma_start3A_15 = arith.constant 0 : i32
    %dma_start3A_16 = arith.constant 0 : i32
    %dma_start3A_17 = tpu.memref_slice %arg2[%dma_start3A_15, %dma_start3A_16] : memref<8192x256xf32, #tpu.memory_space<hbm>> -> memref<8192x256xf32, #tpu.memory_space<hbm>>
    tpu.enqueue_indirect_dma source(%dma_start3A_17 : memref<8192x256xf32, #tpu.memory_space<hbm>>) target(%arg6 : memref<256x256xf32, #tpu.memory_space<vmem>>) offsets(%dma_start3A_14 : memref<256xi32, #tpu.memory_space<vmem>>) semaphore(%arg7 : memref<!tpu.dma_semaphore, #tpu.memory_space<semaphore_mem>>)
    %dma_wait3A_18 = arith.constant 256 : i32
    %dma_wait3A_19 = tpu.memref_slice %arg5[%dma_wait3A_18] : memref<512xi32, #tpu.memory_space<vmem>> -> memref<256xi32, #tpu.memory_space<vmem>>
    %dma_wait3A_20 = arith.constant 0 : i32
    %dma_wait3A_21 = arith.constant 0 : i32
    %dma_wait3A_22 = tpu.memref_slice %arg2[%dma_wait3A_20, %dma_wait3A_21] : memref<8192x256xf32, #tpu.memory_space<hbm>> -> memref<8192x256xf32, #tpu.memory_space<hbm>>
    tpu.wait_indirect_dma semaphore(%arg7 : memref<!tpu.dma_semaphore, #tpu.memory_space<semaphore_mem>>) src(%dma_wait3A_22 : memref<8192x256xf32, #tpu.memory_space<hbm>>) dst(%arg6 : memref<256x256xf32, #tpu.memory_space<vmem>>)
    %add3A_23 = arith.constant 256 : i32
    %add3A_24 = arith.addi %mul3A_2, %add3A_23 : i32
    "tpu.region"() ({
      %run_scoped3A = tpu.sem_alloc : memref<!tpu.dma_semaphore, #tpu.memory_space<semaphore_mem>>
      %dma_start3A_25 = arith.constant 0 : i32
      %dma_start3A_26 = tpu.memref_slice %arg4[%add3A_24, %dma_start3A_25] : memref<16384x256xf32, #tpu.memory_space<hbm>> -> memref<256x256xf32, #tpu.memory_space<hbm>>
      %dma_start3A_27 = arith.constant 0 : i32
      %dma_start3A_28 = tpu.memref_slice %arg4[%add3A_24, %dma_start3A_27] : memref<16384x256xf32, #tpu.memory_space<hbm>> -> memref<256x256xf32, #tpu.memory_space<hbm>>
      tpu.enqueue_dma source(%arg6 : memref<256x256xf32, #tpu.memory_space<vmem>>) target(%dma_start3A_28 : memref<256x256xf32, #tpu.memory_space<hbm>>) target_semaphore(%run_scoped3A : memref<!tpu.dma_semaphore, #tpu.memory_space<semaphore_mem>>)
      %dma_wait3A_29 = arith.constant 0 : i32
      %dma_wait3A_30 = tpu.memref_slice %arg4[%add3A_24, %dma_wait3A_29] : memref<16384x256xf32, #tpu.memory_space<hbm>> -> memref<256x256xf32, #tpu.memory_space<hbm>>
      %dma_wait3A_31 = arith.constant 0 : i32
      %dma_wait3A_32 = tpu.memref_slice %arg4[%add3A_24, %dma_wait3A_31] : memref<16384x256xf32, #tpu.memory_space<hbm>> -> memref<256x256xf32, #tpu.memory_space<hbm>>
      tpu.wait_dma2 semaphore(%run_scoped3A : memref<!tpu.dma_semaphore, #tpu.memory_space<semaphore_mem>>) src(%arg6 : memref<256x256xf32, #tpu.memory_space<vmem>>) dst(%dma_wait3A_32 : memref<256x256xf32, #tpu.memory_space<hbm>>)
      tpu.yield
    }) : () -> ()
    return
  }
}

module attributes {stable_mosaic.version = 14 : i64} {
  func.func @_dist_body(%arg0: i32, %arg1: memref<1024x256xbf16, #tpu.memory_space<vmem>>, %arg2: memref<8192x256xbf16, #tpu.memory_space<vmem>>, %arg3: memref<1024x1xf32, #tpu.memory_space<vmem>>, %arg4: memref<1x8192xf32, #tpu.memory_space<vmem>>, %arg5: memref<1x1024xi32, #tpu.memory_space<vmem>>, %arg6: memref<1x1xf32, #tpu.memory_space<vmem>>) attributes {dimension_semantics = [#tpu.dimension_semantics<arbitrary>], iteration_bounds = array<i64: 16>, scalar_prefetch = 0 : i64, scratch_operands = 0 : i64, tpu.core_type = #tpu.core_type<tc>, window_params = [{transform_indices = @transform_0, window_bounds = array<i64: 1024, 256>}, {pipeline_mode = #tpu.pipeline_mode<synchronous>, transform_indices = @transform_1, window_bounds = array<i64: 8192, 256>}, {transform_indices = @transform_2, window_bounds = array<i64: 1024, 1>}, {pipeline_mode = #tpu.pipeline_mode<synchronous>, transform_indices = @transform_3, window_bounds = array<i64: 1, 8192>}, {transform_indices = @transform_4, window_bounds = array<i64: 1, 1024>}, {pipeline_mode = #tpu.pipeline_mode<synchronous>, transform_indices = @transform_5, window_bounds = array<i64: 1, 1>}]} {
    %get3A = arith.constant 0 : index
    %get3A_0 = arith.constant 0 : index
    %get3A_1 = vector.load %arg1[%get3A, %get3A_0] : memref<1024x256xbf16, #tpu.memory_space<vmem>>, vector<1024x256xbf16>
    %get3A_2 = arith.constant 0 : index
    %get3A_3 = arith.constant 0 : index
    %get3A_4 = vector.load %arg3[%get3A_2, %get3A_3] : memref<1024x1xf32, #tpu.memory_space<vmem>>, vector<1024x1xf32>
    %broadcast_in_dim3A = arith.constant 0x7F800000 : f32
    %broadcast_in_dim3A_5 = vector.broadcast %broadcast_in_dim3A : f32 to vector<1024x1xf32>
    %broadcast_in_dim3A_6 = arith.constant 0x7F800000 : f32
    %broadcast_in_dim3A_7 = vector.broadcast %broadcast_in_dim3A_6 : f32 to vector<1024x1xf32>
    %broadcast_in_dim3A_8 = arith.constant 0x7F800000 : f32
    %broadcast_in_dim3A_9 = vector.broadcast %broadcast_in_dim3A_8 : f32 to vector<1024x1xf32>
    %broadcast_in_dim3A_10 = arith.constant 0 : i32
    %broadcast_in_dim3A_11 = vector.broadcast %broadcast_in_dim3A_10 : i32 to vector<1024x1xi32>
    %broadcast_in_dim3A_12 = arith.constant 0 : i32
    %broadcast_in_dim3A_13 = vector.broadcast %broadcast_in_dim3A_12 : i32 to vector<1024x1xi32>
    %broadcast_in_dim3A_14 = arith.constant 0 : i32
    %broadcast_in_dim3A_15 = vector.broadcast %broadcast_in_dim3A_14 : i32 to vector<1024x1xi32>
    %get3A_16 = arith.constant 0 : index
    %get3A_17 = arith.constant 0 : index
    %get3A_18 = vector.load %arg2[%get3A_16, %get3A_17] : memref<8192x256xbf16, #tpu.memory_space<vmem>>, vector<512x256xbf16>
    %dot_general3A = arith.constant dense<0.000000e+00> : vector<1024x512xf32>
    %dot_general3A_19 = tpu.matmul %get3A_1, %get3A_18, %dot_general3A {dimension_numbers = #tpu.dot_dimension_numbers<[1], [1], [0], [0], [0, 0, 1, 0], [], []>, transpose_lhs_hint = false} : vector<1024x256xbf16>, vector<512x256xbf16>, vector<1024x512xf32> -> vector<1024x512xf32>
    %get3A_20 = arith.constant 0 : index
    %get3A_21 = arith.constant 0 : index
    %get3A_22 = vector.load %arg4[%get3A_20, %get3A_21] : memref<1x8192xf32, #tpu.memory_space<vmem>>, vector<1x512xf32>
    %add3A = vector.broadcast %get3A_4 : vector<1024x1xf32> to vector<1024x512xf32>
    %add3A_23 = vector.broadcast %get3A_22 : vector<1x512xf32> to vector<1024x512xf32>
    %add3A_24 = arith.addf %add3A, %add3A_23 : vector<1024x512xf32>
    %add3A_25 = arith.addf %add3A_24, %dot_general3A_19 : vector<1024x512xf32>
    %iota3A = tpu.iota {dimensions = array<i32: 1>} : vector<1024x512xi32>
    %add3A_26 = arith.constant 0 : i32
    %add3A_27 = vector.broadcast %add3A_26 : i32 to vector<1024x512xi32>
    %add3A_28 = arith.addi %iota3A, %add3A_27 : vector<1024x512xi32>
    %reduce_min3A = arith.constant dense<0x7F800000> : vector<1024xf32>
    %reduce_min3A_29 = vector.multi_reduction <minimumf>, %add3A_25, %reduce_min3A [1] : vector<1024x512xf32> to vector<1024xf32>
    %broadcast_in_dim3A_30 = vector.shape_cast %reduce_min3A_29 : vector<1024xf32> to vector<1024x1xf32>
    %eq3A = vector.broadcast %broadcast_in_dim3A_30 : vector<1024x1xf32> to vector<1024x512xf32>
    %eq3A_31 = arith.cmpf oeq, %add3A_25, %eq3A : vector<1024x512xf32>
    %jit3A = arith.constant 1073741824 : i32
    %broadcast_in_dim3A_32 = vector.broadcast %jit3A : i32 to vector<1024x512xi32>
    %select_n3A = arith.select %eq3A_31, %add3A_28, %broadcast_in_dim3A_32 : vector<1024x512xi1>, vector<1024x512xi32>
    %reduce_min3A_33 = arith.constant dense<2147483647> : vector<1024xi32>
    %reduce_min3A_34 = vector.multi_reduction <minsi>, %select_n3A, %reduce_min3A_33 [1] : vector<1024x512xi32> to vector<1024xi32>
    %broadcast_in_dim3A_35 = vector.shape_cast %reduce_min3A_34 : vector<1024xi32> to vector<1024x1xi32>
    %lt3A = arith.cmpf olt, %broadcast_in_dim3A_30, %broadcast_in_dim3A_5 : vector<1024x1xf32>
    %select_n3A_36 = arith.select %lt3A, %broadcast_in_dim3A_30, %broadcast_in_dim3A_5 : vector<1024x1xi1>, vector<1024x1xf32>
    %select_n3A_37 = arith.select %lt3A, %broadcast_in_dim3A_35, %broadcast_in_dim3A_11 : vector<1024x1xi1>, vector<1024x1xi32>
    %get3A_38 = arith.constant 512 : index
    %get3A_39 = arith.constant 0 : index
    %get3A_40 = vector.load %arg2[%get3A_38, %get3A_39] : memref<8192x256xbf16, #tpu.memory_space<vmem>>, vector<512x256xbf16>
    %dot_general3A_41 = arith.constant dense<0.000000e+00> : vector<1024x512xf32>
    %dot_general3A_42 = tpu.matmul %get3A_1, %get3A_40, %dot_general3A_41 {dimension_numbers = #tpu.dot_dimension_numbers<[1], [1], [0], [0], [0, 0, 1, 0], [], []>, transpose_lhs_hint = false} : vector<1024x256xbf16>, vector<512x256xbf16>, vector<1024x512xf32> -> vector<1024x512xf32>
    %get3A_43 = arith.constant 0 : index
    %get3A_44 = arith.constant 512 : index
    %get3A_45 = vector.load %arg4[%get3A_43, %get3A_44] : memref<1x8192xf32, #tpu.memory_space<vmem>>, vector<1x512xf32>
    %add3A_46 = vector.broadcast %get3A_4 : vector<1024x1xf32> to vector<1024x512xf32>
    %add3A_47 = vector.broadcast %get3A_45 : vector<1x512xf32> to vector<1024x512xf32>
    %add3A_48 = arith.addf %add3A_46, %add3A_47 : vector<1024x512xf32>
    %add3A_49 = arith.addf %add3A_48, %dot_general3A_42 : vector<1024x512xf32>
    %iota3A_50 = tpu.iota {dimensions = array<i32: 1>} : vector<1024x512xi32>
    %add3A_51 = arith.constant 512 : i32
    %add3A_52 = vector.broadcast %add3A_51 : i32 to vector<1024x512xi32>
    %add3A_53 = arith.addi %iota3A_50, %add3A_52 : vector<1024x512xi32>
    %reduce_min3A_54 = arith.constant dense<0x7F800000> : vector<1024xf32>
    %reduce_min3A_55 = vector.multi_reduction <minimumf>, %add3A_49, %reduce_min3A_54 [1] : vector<1024x512xf32> to vector<1024xf32>
    %broadcast_in_dim3A_56 = vector.shape_cast %reduce_min3A_55 : vector<1024xf32> to vector<1024x1xf32>
    %eq3A_57 = vector.broadcast %broadcast_in_dim3A_56 : vector<1024x1xf32> to vector<1024x512xf32>
    %eq3A_58 = arith.cmpf oeq, %add3A_49, %eq3A_57 : vector<1024x512xf32>
    %jit3A_59 = arith.constant 1073741824 : i32
    %broadcast_in_dim3A_60 = vector.broadcast %jit3A_59 : i32 to vector<1024x512xi32>
    %select_n3A_61 = arith.select %eq3A_58, %add3A_53, %broadcast_in_dim3A_60 : vector<1024x512xi1>, vector<1024x512xi32>
    %reduce_min3A_62 = arith.constant dense<2147483647> : vector<1024xi32>
    %reduce_min3A_63 = vector.multi_reduction <minsi>, %select_n3A_61, %reduce_min3A_62 [1] : vector<1024x512xi32> to vector<1024xi32>
    %broadcast_in_dim3A_64 = vector.shape_cast %reduce_min3A_63 : vector<1024xi32> to vector<1024x1xi32>
    %lt3A_65 = arith.cmpf olt, %broadcast_in_dim3A_56, %select_n3A_36 : vector<1024x1xf32>
    %select_n3A_66 = arith.select %lt3A_65, %broadcast_in_dim3A_56, %select_n3A_36 : vector<1024x1xi1>, vector<1024x1xf32>
    %select_n3A_67 = arith.select %lt3A_65, %broadcast_in_dim3A_64, %select_n3A_37 : vector<1024x1xi1>, vector<1024x1xi32>
    %get3A_68 = arith.constant 1024 : index
    %get3A_69 = arith.constant 0 : index
    %get3A_70 = vector.load %arg2[%get3A_68, %get3A_69] : memref<8192x256xbf16, #tpu.memory_space<vmem>>, vector<512x256xbf16>
    %dot_general3A_71 = arith.constant dense<0.000000e+00> : vector<1024x512xf32>
    %dot_general3A_72 = tpu.matmul %get3A_1, %get3A_70, %dot_general3A_71 {dimension_numbers = #tpu.dot_dimension_numbers<[1], [1], [0], [0], [0, 0, 1, 0], [], []>, transpose_lhs_hint = false} : vector<1024x256xbf16>, vector<512x256xbf16>, vector<1024x512xf32> -> vector<1024x512xf32>
    %get3A_73 = arith.constant 0 : index
    %get3A_74 = arith.constant 1024 : index
    %get3A_75 = vector.load %arg4[%get3A_73, %get3A_74] : memref<1x8192xf32, #tpu.memory_space<vmem>>, vector<1x512xf32>
    %add3A_76 = vector.broadcast %get3A_4 : vector<1024x1xf32> to vector<1024x512xf32>
    %add3A_77 = vector.broadcast %get3A_75 : vector<1x512xf32> to vector<1024x512xf32>
    %add3A_78 = arith.addf %add3A_76, %add3A_77 : vector<1024x512xf32>
    %add3A_79 = arith.addf %add3A_78, %dot_general3A_72 : vector<1024x512xf32>
    %iota3A_80 = tpu.iota {dimensions = array<i32: 1>} : vector<1024x512xi32>
    %add3A_81 = arith.constant 1024 : i32
    %add3A_82 = vector.broadcast %add3A_81 : i32 to vector<1024x512xi32>
    %add3A_83 = arith.addi %iota3A_80, %add3A_82 : vector<1024x512xi32>
    %reduce_min3A_84 = arith.constant dense<0x7F800000> : vector<1024xf32>
    %reduce_min3A_85 = vector.multi_reduction <minimumf>, %add3A_79, %reduce_min3A_84 [1] : vector<1024x512xf32> to vector<1024xf32>
    %broadcast_in_dim3A_86 = vector.shape_cast %reduce_min3A_85 : vector<1024xf32> to vector<1024x1xf32>
    %eq3A_87 = vector.broadcast %broadcast_in_dim3A_86 : vector<1024x1xf32> to vector<1024x512xf32>
    %eq3A_88 = arith.cmpf oeq, %add3A_79, %eq3A_87 : vector<1024x512xf32>
    %jit3A_89 = arith.constant 1073741824 : i32
    %broadcast_in_dim3A_90 = vector.broadcast %jit3A_89 : i32 to vector<1024x512xi32>
    %select_n3A_91 = arith.select %eq3A_88, %add3A_83, %broadcast_in_dim3A_90 : vector<1024x512xi1>, vector<1024x512xi32>
    %reduce_min3A_92 = arith.constant dense<2147483647> : vector<1024xi32>
    %reduce_min3A_93 = vector.multi_reduction <minsi>, %select_n3A_91, %reduce_min3A_92 [1] : vector<1024x512xi32> to vector<1024xi32>
    %broadcast_in_dim3A_94 = vector.shape_cast %reduce_min3A_93 : vector<1024xi32> to vector<1024x1xi32>
    %lt3A_95 = arith.cmpf olt, %broadcast_in_dim3A_86, %select_n3A_66 : vector<1024x1xf32>
    %select_n3A_96 = arith.select %lt3A_95, %broadcast_in_dim3A_86, %select_n3A_66 : vector<1024x1xi1>, vector<1024x1xf32>
    %select_n3A_97 = arith.select %lt3A_95, %broadcast_in_dim3A_94, %select_n3A_67 : vector<1024x1xi1>, vector<1024x1xi32>
    %get3A_98 = arith.constant 1536 : index
    %get3A_99 = arith.constant 0 : index
    %get3A_100 = vector.load %arg2[%get3A_98, %get3A_99] : memref<8192x256xbf16, #tpu.memory_space<vmem>>, vector<512x256xbf16>
    %dot_general3A_101 = arith.constant dense<0.000000e+00> : vector<1024x512xf32>
    %dot_general3A_102 = tpu.matmul %get3A_1, %get3A_100, %dot_general3A_101 {dimension_numbers = #tpu.dot_dimension_numbers<[1], [1], [0], [0], [0, 0, 1, 0], [], []>, transpose_lhs_hint = false} : vector<1024x256xbf16>, vector<512x256xbf16>, vector<1024x512xf32> -> vector<1024x512xf32>
    %get3A_103 = arith.constant 0 : index
    %get3A_104 = arith.constant 1536 : index
    %get3A_105 = vector.load %arg4[%get3A_103, %get3A_104] : memref<1x8192xf32, #tpu.memory_space<vmem>>, vector<1x512xf32>
    %add3A_106 = vector.broadcast %get3A_4 : vector<1024x1xf32> to vector<1024x512xf32>
    %add3A_107 = vector.broadcast %get3A_105 : vector<1x512xf32> to vector<1024x512xf32>
    %add3A_108 = arith.addf %add3A_106, %add3A_107 : vector<1024x512xf32>
    %add3A_109 = arith.addf %add3A_108, %dot_general3A_102 : vector<1024x512xf32>
    %iota3A_110 = tpu.iota {dimensions = array<i32: 1>} : vector<1024x512xi32>
    %add3A_111 = arith.constant 1536 : i32
    %add3A_112 = vector.broadcast %add3A_111 : i32 to vector<1024x512xi32>
    %add3A_113 = arith.addi %iota3A_110, %add3A_112 : vector<1024x512xi32>
    %reduce_min3A_114 = arith.constant dense<0x7F800000> : vector<1024xf32>
    %reduce_min3A_115 = vector.multi_reduction <minimumf>, %add3A_109, %reduce_min3A_114 [1] : vector<1024x512xf32> to vector<1024xf32>
    %broadcast_in_dim3A_116 = vector.shape_cast %reduce_min3A_115 : vector<1024xf32> to vector<1024x1xf32>
    %eq3A_117 = vector.broadcast %broadcast_in_dim3A_116 : vector<1024x1xf32> to vector<1024x512xf32>
    %eq3A_118 = arith.cmpf oeq, %add3A_109, %eq3A_117 : vector<1024x512xf32>
    %jit3A_119 = arith.constant 1073741824 : i32
    %broadcast_in_dim3A_120 = vector.broadcast %jit3A_119 : i32 to vector<1024x512xi32>
    %select_n3A_121 = arith.select %eq3A_118, %add3A_113, %broadcast_in_dim3A_120 : vector<1024x512xi1>, vector<1024x512xi32>
    %reduce_min3A_122 = arith.constant dense<2147483647> : vector<1024xi32>
    %reduce_min3A_123 = vector.multi_reduction <minsi>, %select_n3A_121, %reduce_min3A_122 [1] : vector<1024x512xi32> to vector<1024xi32>
    %broadcast_in_dim3A_124 = vector.shape_cast %reduce_min3A_123 : vector<1024xi32> to vector<1024x1xi32>
    %lt3A_125 = arith.cmpf olt, %broadcast_in_dim3A_116, %select_n3A_96 : vector<1024x1xf32>
    %select_n3A_126 = arith.select %lt3A_125, %broadcast_in_dim3A_116, %select_n3A_96 : vector<1024x1xi1>, vector<1024x1xf32>
    %select_n3A_127 = arith.select %lt3A_125, %broadcast_in_dim3A_124, %select_n3A_97 : vector<1024x1xi1>, vector<1024x1xi32>
    %get3A_128 = arith.constant 2048 : index
    %get3A_129 = arith.constant 0 : index
    %get3A_130 = vector.load %arg2[%get3A_128, %get3A_129] : memref<8192x256xbf16, #tpu.memory_space<vmem>>, vector<512x256xbf16>
    %dot_general3A_131 = arith.constant dense<0.000000e+00> : vector<1024x512xf32>
    %dot_general3A_132 = tpu.matmul %get3A_1, %get3A_130, %dot_general3A_131 {dimension_numbers = #tpu.dot_dimension_numbers<[1], [1], [0], [0], [0, 0, 1, 0], [], []>, transpose_lhs_hint = false} : vector<1024x256xbf16>, vector<512x256xbf16>, vector<1024x512xf32> -> vector<1024x512xf32>
    %get3A_133 = arith.constant 0 : index
    %get3A_134 = arith.constant 2048 : index
    %get3A_135 = vector.load %arg4[%get3A_133, %get3A_134] : memref<1x8192xf32, #tpu.memory_space<vmem>>, vector<1x512xf32>
    %add3A_136 = vector.broadcast %get3A_4 : vector<1024x1xf32> to vector<1024x512xf32>
    %add3A_137 = vector.broadcast %get3A_135 : vector<1x512xf32> to vector<1024x512xf32>
    %add3A_138 = arith.addf %add3A_136, %add3A_137 : vector<1024x512xf32>
    %add3A_139 = arith.addf %add3A_138, %dot_general3A_132 : vector<1024x512xf32>
    %iota3A_140 = tpu.iota {dimensions = array<i32: 1>} : vector<1024x512xi32>
    %add3A_141 = arith.constant 2048 : i32
    %add3A_142 = vector.broadcast %add3A_141 : i32 to vector<1024x512xi32>
    %add3A_143 = arith.addi %iota3A_140, %add3A_142 : vector<1024x512xi32>
    %reduce_min3A_144 = arith.constant dense<0x7F800000> : vector<1024xf32>
    %reduce_min3A_145 = vector.multi_reduction <minimumf>, %add3A_139, %reduce_min3A_144 [1] : vector<1024x512xf32> to vector<1024xf32>
    %broadcast_in_dim3A_146 = vector.shape_cast %reduce_min3A_145 : vector<1024xf32> to vector<1024x1xf32>
    %eq3A_147 = vector.broadcast %broadcast_in_dim3A_146 : vector<1024x1xf32> to vector<1024x512xf32>
    %eq3A_148 = arith.cmpf oeq, %add3A_139, %eq3A_147 : vector<1024x512xf32>
    %jit3A_149 = arith.constant 1073741824 : i32
    %broadcast_in_dim3A_150 = vector.broadcast %jit3A_149 : i32 to vector<1024x512xi32>
    %select_n3A_151 = arith.select %eq3A_148, %add3A_143, %broadcast_in_dim3A_150 : vector<1024x512xi1>, vector<1024x512xi32>
    %reduce_min3A_152 = arith.constant dense<2147483647> : vector<1024xi32>
    %reduce_min3A_153 = vector.multi_reduction <minsi>, %select_n3A_151, %reduce_min3A_152 [1] : vector<1024x512xi32> to vector<1024xi32>
    %broadcast_in_dim3A_154 = vector.shape_cast %reduce_min3A_153 : vector<1024xi32> to vector<1024x1xi32>
    %lt3A_155 = arith.cmpf olt, %broadcast_in_dim3A_146, %select_n3A_126 : vector<1024x1xf32>
    %select_n3A_156 = arith.select %lt3A_155, %broadcast_in_dim3A_146, %select_n3A_126 : vector<1024x1xi1>, vector<1024x1xf32>
    %select_n3A_157 = arith.select %lt3A_155, %broadcast_in_dim3A_154, %select_n3A_127 : vector<1024x1xi1>, vector<1024x1xi32>
    %get3A_158 = arith.constant 2560 : index
    %get3A_159 = arith.constant 0 : index
    %get3A_160 = vector.load %arg2[%get3A_158, %get3A_159] : memref<8192x256xbf16, #tpu.memory_space<vmem>>, vector<512x256xbf16>
    %dot_general3A_161 = arith.constant dense<0.000000e+00> : vector<1024x512xf32>
    %dot_general3A_162 = tpu.matmul %get3A_1, %get3A_160, %dot_general3A_161 {dimension_numbers = #tpu.dot_dimension_numbers<[1], [1], [0], [0], [0, 0, 1, 0], [], []>, transpose_lhs_hint = false} : vector<1024x256xbf16>, vector<512x256xbf16>, vector<1024x512xf32> -> vector<1024x512xf32>
    %get3A_163 = arith.constant 0 : index
    %get3A_164 = arith.constant 2560 : index
    %get3A_165 = vector.load %arg4[%get3A_163, %get3A_164] : memref<1x8192xf32, #tpu.memory_space<vmem>>, vector<1x512xf32>
    %add3A_166 = vector.broadcast %get3A_4 : vector<1024x1xf32> to vector<1024x512xf32>
    %add3A_167 = vector.broadcast %get3A_165 : vector<1x512xf32> to vector<1024x512xf32>
    %add3A_168 = arith.addf %add3A_166, %add3A_167 : vector<1024x512xf32>
    %add3A_169 = arith.addf %add3A_168, %dot_general3A_162 : vector<1024x512xf32>
    %iota3A_170 = tpu.iota {dimensions = array<i32: 1>} : vector<1024x512xi32>
    %add3A_171 = arith.constant 2560 : i32
    %add3A_172 = vector.broadcast %add3A_171 : i32 to vector<1024x512xi32>
    %add3A_173 = arith.addi %iota3A_170, %add3A_172 : vector<1024x512xi32>
    %ge3A = arith.constant 0 : i32
    %ge3A_174 = vector.broadcast %ge3A : i32 to vector<1024x512xi32>
    %ge3A_175 = arith.cmpi sge, %add3A_173, %ge3A_174 : vector<1024x512xi32>
    %lt3A_176 = arith.constant 2736 : i32
    %lt3A_177 = vector.broadcast %lt3A_176 : i32 to vector<1024x512xi32>
    %lt3A_178 = arith.cmpi slt, %add3A_173, %lt3A_177 : vector<1024x512xi32>
    %and3A = arith.andi %ge3A_175, %lt3A_178 : vector<1024x512xi1>
    %jit3A_179 = arith.constant 0x7F800000 : f32
    %broadcast_in_dim3A_180 = vector.broadcast %jit3A_179 : f32 to vector<1024x512xf32>
    %select_n3A_181 = arith.select %and3A, %add3A_169, %broadcast_in_dim3A_180 : vector<1024x512xi1>, vector<1024x512xf32>
    %reduce_min3A_182 = arith.constant dense<0x7F800000> : vector<1024xf32>
    %reduce_min3A_183 = vector.multi_reduction <minimumf>, %select_n3A_181, %reduce_min3A_182 [1] : vector<1024x512xf32> to vector<1024xf32>
    %broadcast_in_dim3A_184 = vector.shape_cast %reduce_min3A_183 : vector<1024xf32> to vector<1024x1xf32>
    %eq3A_185 = vector.broadcast %broadcast_in_dim3A_184 : vector<1024x1xf32> to vector<1024x512xf32>
    %eq3A_186 = arith.cmpf oeq, %select_n3A_181, %eq3A_185 : vector<1024x512xf32>
    %jit3A_187 = arith.constant 1073741824 : i32
    %broadcast_in_dim3A_188 = vector.broadcast %jit3A_187 : i32 to vector<1024x512xi32>
    %select_n3A_189 = arith.select %eq3A_186, %add3A_173, %broadcast_in_dim3A_188 : vector<1024x512xi1>, vector<1024x512xi32>
    %reduce_min3A_190 = arith.constant dense<2147483647> : vector<1024xi32>
    %reduce_min3A_191 = vector.multi_reduction <minsi>, %select_n3A_189, %reduce_min3A_190 [1] : vector<1024x512xi32> to vector<1024xi32>
    %broadcast_in_dim3A_192 = vector.shape_cast %reduce_min3A_191 : vector<1024xi32> to vector<1024x1xi32>
    %lt3A_193 = arith.cmpf olt, %broadcast_in_dim3A_184, %select_n3A_156 : vector<1024x1xf32>
    %select_n3A_194 = arith.select %lt3A_193, %broadcast_in_dim3A_184, %select_n3A_156 : vector<1024x1xi1>, vector<1024x1xf32>
    %select_n3A_195 = arith.select %lt3A_193, %broadcast_in_dim3A_192, %select_n3A_157 : vector<1024x1xi1>, vector<1024x1xi32>
    %ge3A_196 = arith.constant 2736 : i32
    %ge3A_197 = vector.broadcast %ge3A_196 : i32 to vector<1024x512xi32>
    %ge3A_198 = arith.cmpi sge, %add3A_173, %ge3A_197 : vector<1024x512xi32>
    %lt3A_199 = arith.constant 5472 : i32
    %lt3A_200 = vector.broadcast %lt3A_199 : i32 to vector<1024x512xi32>
    %lt3A_201 = arith.cmpi slt, %add3A_173, %lt3A_200 : vector<1024x512xi32>
    %and3A_202 = arith.andi %ge3A_198, %lt3A_201 : vector<1024x512xi1>
    %jit3A_203 = arith.constant 0x7F800000 : f32
    %broadcast_in_dim3A_204 = vector.broadcast %jit3A_203 : f32 to vector<1024x512xf32>
    %select_n3A_205 = arith.select %and3A_202, %add3A_169, %broadcast_in_dim3A_204 : vector<1024x512xi1>, vector<1024x512xf32>
    %reduce_min3A_206 = arith.constant dense<0x7F800000> : vector<1024xf32>
    %reduce_min3A_207 = vector.multi_reduction <minimumf>, %select_n3A_205, %reduce_min3A_206 [1] : vector<1024x512xf32> to vector<1024xf32>
    %broadcast_in_dim3A_208 = vector.shape_cast %reduce_min3A_207 : vector<1024xf32> to vector<1024x1xf32>
    %eq3A_209 = vector.broadcast %broadcast_in_dim3A_208 : vector<1024x1xf32> to vector<1024x512xf32>
    %eq3A_210 = arith.cmpf oeq, %select_n3A_205, %eq3A_209 : vector<1024x512xf32>
    %jit3A_211 = arith.constant 1073741824 : i32
    %broadcast_in_dim3A_212 = vector.broadcast %jit3A_211 : i32 to vector<1024x512xi32>
    %select_n3A_213 = arith.select %eq3A_210, %add3A_173, %broadcast_in_dim3A_212 : vector<1024x512xi1>, vector<1024x512xi32>
    %reduce_min3A_214 = arith.constant dense<2147483647> : vector<1024xi32>
    %reduce_min3A_215 = vector.multi_reduction <minsi>, %select_n3A_213, %reduce_min3A_214 [1] : vector<1024x512xi32> to vector<1024xi32>
    %broadcast_in_dim3A_216 = vector.shape_cast %reduce_min3A_215 : vector<1024xi32> to vector<1024x1xi32>
    %lt3A_217 = arith.cmpf olt, %broadcast_in_dim3A_208, %broadcast_in_dim3A_7 : vector<1024x1xf32>
    %select_n3A_218 = arith.select %lt3A_217, %broadcast_in_dim3A_208, %broadcast_in_dim3A_7 : vector<1024x1xi1>, vector<1024x1xf32>
    %select_n3A_219 = arith.select %lt3A_217, %broadcast_in_dim3A_216, %broadcast_in_dim3A_13 : vector<1024x1xi1>, vector<1024x1xi32>
    %get3A_220 = arith.constant 3072 : index
    %get3A_221 = arith.constant 0 : index
    %get3A_222 = vector.load %arg2[%get3A_220, %get3A_221] : memref<8192x256xbf16, #tpu.memory_space<vmem>>, vector<512x256xbf16>
    %dot_general3A_223 = arith.constant dense<0.000000e+00> : vector<1024x512xf32>
    %dot_general3A_224 = tpu.matmul %get3A_1, %get3A_222, %dot_general3A_223 {dimension_numbers = #tpu.dot_dimension_numbers<[1], [1], [0], [0], [0, 0, 1, 0], [], []>, transpose_lhs_hint = false} : vector<1024x256xbf16>, vector<512x256xbf16>, vector<1024x512xf32> -> vector<1024x512xf32>
    %get3A_225 = arith.constant 0 : index
    %get3A_226 = arith.constant 3072 : index
    %get3A_227 = vector.load %arg4[%get3A_225, %get3A_226] : memref<1x8192xf32, #tpu.memory_space<vmem>>, vector<1x512xf32>
    %add3A_228 = vector.broadcast %get3A_4 : vector<1024x1xf32> to vector<1024x512xf32>
    %add3A_229 = vector.broadcast %get3A_227 : vector<1x512xf32> to vector<1024x512xf32>
    %add3A_230 = arith.addf %add3A_228, %add3A_229 : vector<1024x512xf32>
    %add3A_231 = arith.addf %add3A_230, %dot_general3A_224 : vector<1024x512xf32>
    %iota3A_232 = tpu.iota {dimensions = array<i32: 1>} : vector<1024x512xi32>
    %add3A_233 = arith.constant 3072 : i32
    %add3A_234 = vector.broadcast %add3A_233 : i32 to vector<1024x512xi32>
    %add3A_235 = arith.addi %iota3A_232, %add3A_234 : vector<1024x512xi32>
    %reduce_min3A_236 = arith.constant dense<0x7F800000> : vector<1024xf32>
    %reduce_min3A_237 = vector.multi_reduction <minimumf>, %add3A_231, %reduce_min3A_236 [1] : vector<1024x512xf32> to vector<1024xf32>
    %broadcast_in_dim3A_238 = vector.shape_cast %reduce_min3A_237 : vector<1024xf32> to vector<1024x1xf32>
    %eq3A_239 = vector.broadcast %broadcast_in_dim3A_238 : vector<1024x1xf32> to vector<1024x512xf32>
    %eq3A_240 = arith.cmpf oeq, %add3A_231, %eq3A_239 : vector<1024x512xf32>
    %jit3A_241 = arith.constant 1073741824 : i32
    %broadcast_in_dim3A_242 = vector.broadcast %jit3A_241 : i32 to vector<1024x512xi32>
    %select_n3A_243 = arith.select %eq3A_240, %add3A_235, %broadcast_in_dim3A_242 : vector<1024x512xi1>, vector<1024x512xi32>
    %reduce_min3A_244 = arith.constant dense<2147483647> : vector<1024xi32>
    %reduce_min3A_245 = vector.multi_reduction <minsi>, %select_n3A_243, %reduce_min3A_244 [1] : vector<1024x512xi32> to vector<1024xi32>
    %broadcast_in_dim3A_246 = vector.shape_cast %reduce_min3A_245 : vector<1024xi32> to vector<1024x1xi32>
    %lt3A_247 = arith.cmpf olt, %broadcast_in_dim3A_238, %select_n3A_218 : vector<1024x1xf32>
    %select_n3A_248 = arith.select %lt3A_247, %broadcast_in_dim3A_238, %select_n3A_218 : vector<1024x1xi1>, vector<1024x1xf32>
    %select_n3A_249 = arith.select %lt3A_247, %broadcast_in_dim3A_246, %select_n3A_219 : vector<1024x1xi1>, vector<1024x1xi32>
    %get3A_250 = arith.constant 3584 : index
    %get3A_251 = arith.constant 0 : index
    %get3A_252 = vector.load %arg2[%get3A_250, %get3A_251] : memref<8192x256xbf16, #tpu.memory_space<vmem>>, vector<512x256xbf16>
    %dot_general3A_253 = arith.constant dense<0.000000e+00> : vector<1024x512xf32>
    %dot_general3A_254 = tpu.matmul %get3A_1, %get3A_252, %dot_general3A_253 {dimension_numbers = #tpu.dot_dimension_numbers<[1], [1], [0], [0], [0, 0, 1, 0], [], []>, transpose_lhs_hint = false} : vector<1024x256xbf16>, vector<512x256xbf16>, vector<1024x512xf32> -> vector<1024x512xf32>
    %get3A_255 = arith.constant 0 : index
    %get3A_256 = arith.constant 3584 : index
    %get3A_257 = vector.load %arg4[%get3A_255, %get3A_256] : memref<1x8192xf32, #tpu.memory_space<vmem>>, vector<1x512xf32>
    %add3A_258 = vector.broadcast %get3A_4 : vector<1024x1xf32> to vector<1024x512xf32>
    %add3A_259 = vector.broadcast %get3A_257 : vector<1x512xf32> to vector<1024x512xf32>
    %add3A_260 = arith.addf %add3A_258, %add3A_259 : vector<1024x512xf32>
    %add3A_261 = arith.addf %add3A_260, %dot_general3A_254 : vector<1024x512xf32>
    %iota3A_262 = tpu.iota {dimensions = array<i32: 1>} : vector<1024x512xi32>
    %add3A_263 = arith.constant 3584 : i32
    %add3A_264 = vector.broadcast %add3A_263 : i32 to vector<1024x512xi32>
    %add3A_265 = arith.addi %iota3A_262, %add3A_264 : vector<1024x512xi32>
    %reduce_min3A_266 = arith.constant dense<0x7F800000> : vector<1024xf32>
    %reduce_min3A_267 = vector.multi_reduction <minimumf>, %add3A_261, %reduce_min3A_266 [1] : vector<1024x512xf32> to vector<1024xf32>
    %broadcast_in_dim3A_268 = vector.shape_cast %reduce_min3A_267 : vector<1024xf32> to vector<1024x1xf32>
    %eq3A_269 = vector.broadcast %broadcast_in_dim3A_268 : vector<1024x1xf32> to vector<1024x512xf32>
    %eq3A_270 = arith.cmpf oeq, %add3A_261, %eq3A_269 : vector<1024x512xf32>
    %jit3A_271 = arith.constant 1073741824 : i32
    %broadcast_in_dim3A_272 = vector.broadcast %jit3A_271 : i32 to vector<1024x512xi32>
    %select_n3A_273 = arith.select %eq3A_270, %add3A_265, %broadcast_in_dim3A_272 : vector<1024x512xi1>, vector<1024x512xi32>
    %reduce_min3A_274 = arith.constant dense<2147483647> : vector<1024xi32>
    %reduce_min3A_275 = vector.multi_reduction <minsi>, %select_n3A_273, %reduce_min3A_274 [1] : vector<1024x512xi32> to vector<1024xi32>
    %broadcast_in_dim3A_276 = vector.shape_cast %reduce_min3A_275 : vector<1024xi32> to vector<1024x1xi32>
    %lt3A_277 = arith.cmpf olt, %broadcast_in_dim3A_268, %select_n3A_248 : vector<1024x1xf32>
    %select_n3A_278 = arith.select %lt3A_277, %broadcast_in_dim3A_268, %select_n3A_248 : vector<1024x1xi1>, vector<1024x1xf32>
    %select_n3A_279 = arith.select %lt3A_277, %broadcast_in_dim3A_276, %select_n3A_249 : vector<1024x1xi1>, vector<1024x1xi32>
    %get3A_280 = arith.constant 4096 : index
    %get3A_281 = arith.constant 0 : index
    %get3A_282 = vector.load %arg2[%get3A_280, %get3A_281] : memref<8192x256xbf16, #tpu.memory_space<vmem>>, vector<512x256xbf16>
    %dot_general3A_283 = arith.constant dense<0.000000e+00> : vector<1024x512xf32>
    %dot_general3A_284 = tpu.matmul %get3A_1, %get3A_282, %dot_general3A_283 {dimension_numbers = #tpu.dot_dimension_numbers<[1], [1], [0], [0], [0, 0, 1, 0], [], []>, transpose_lhs_hint = false} : vector<1024x256xbf16>, vector<512x256xbf16>, vector<1024x512xf32> -> vector<1024x512xf32>
    %get3A_285 = arith.constant 0 : index
    %get3A_286 = arith.constant 4096 : index
    %get3A_287 = vector.load %arg4[%get3A_285, %get3A_286] : memref<1x8192xf32, #tpu.memory_space<vmem>>, vector<1x512xf32>
    %add3A_288 = vector.broadcast %get3A_4 : vector<1024x1xf32> to vector<1024x512xf32>
    %add3A_289 = vector.broadcast %get3A_287 : vector<1x512xf32> to vector<1024x512xf32>
    %add3A_290 = arith.addf %add3A_288, %add3A_289 : vector<1024x512xf32>
    %add3A_291 = arith.addf %add3A_290, %dot_general3A_284 : vector<1024x512xf32>
    %iota3A_292 = tpu.iota {dimensions = array<i32: 1>} : vector<1024x512xi32>
    %add3A_293 = arith.constant 4096 : i32
    %add3A_294 = vector.broadcast %add3A_293 : i32 to vector<1024x512xi32>
    %add3A_295 = arith.addi %iota3A_292, %add3A_294 : vector<1024x512xi32>
    %reduce_min3A_296 = arith.constant dense<0x7F800000> : vector<1024xf32>
    %reduce_min3A_297 = vector.multi_reduction <minimumf>, %add3A_291, %reduce_min3A_296 [1] : vector<1024x512xf32> to vector<1024xf32>
    %broadcast_in_dim3A_298 = vector.shape_cast %reduce_min3A_297 : vector<1024xf32> to vector<1024x1xf32>
    %eq3A_299 = vector.broadcast %broadcast_in_dim3A_298 : vector<1024x1xf32> to vector<1024x512xf32>
    %eq3A_300 = arith.cmpf oeq, %add3A_291, %eq3A_299 : vector<1024x512xf32>
    %jit3A_301 = arith.constant 1073741824 : i32
    %broadcast_in_dim3A_302 = vector.broadcast %jit3A_301 : i32 to vector<1024x512xi32>
    %select_n3A_303 = arith.select %eq3A_300, %add3A_295, %broadcast_in_dim3A_302 : vector<1024x512xi1>, vector<1024x512xi32>
    %reduce_min3A_304 = arith.constant dense<2147483647> : vector<1024xi32>
    %reduce_min3A_305 = vector.multi_reduction <minsi>, %select_n3A_303, %reduce_min3A_304 [1] : vector<1024x512xi32> to vector<1024xi32>
    %broadcast_in_dim3A_306 = vector.shape_cast %reduce_min3A_305 : vector<1024xi32> to vector<1024x1xi32>
    %lt3A_307 = arith.cmpf olt, %broadcast_in_dim3A_298, %select_n3A_278 : vector<1024x1xf32>
    %select_n3A_308 = arith.select %lt3A_307, %broadcast_in_dim3A_298, %select_n3A_278 : vector<1024x1xi1>, vector<1024x1xf32>
    %select_n3A_309 = arith.select %lt3A_307, %broadcast_in_dim3A_306, %select_n3A_279 : vector<1024x1xi1>, vector<1024x1xi32>
    %get3A_310 = arith.constant 4608 : index
    %get3A_311 = arith.constant 0 : index
    %get3A_312 = vector.load %arg2[%get3A_310, %get3A_311] : memref<8192x256xbf16, #tpu.memory_space<vmem>>, vector<512x256xbf16>
    %dot_general3A_313 = arith.constant dense<0.000000e+00> : vector<1024x512xf32>
    %dot_general3A_314 = tpu.matmul %get3A_1, %get3A_312, %dot_general3A_313 {dimension_numbers = #tpu.dot_dimension_numbers<[1], [1], [0], [0], [0, 0, 1, 0], [], []>, transpose_lhs_hint = false} : vector<1024x256xbf16>, vector<512x256xbf16>, vector<1024x512xf32> -> vector<1024x512xf32>
    %get3A_315 = arith.constant 0 : index
    %get3A_316 = arith.constant 4608 : index
    %get3A_317 = vector.load %arg4[%get3A_315, %get3A_316] : memref<1x8192xf32, #tpu.memory_space<vmem>>, vector<1x512xf32>
    %add3A_318 = vector.broadcast %get3A_4 : vector<1024x1xf32> to vector<1024x512xf32>
    %add3A_319 = vector.broadcast %get3A_317 : vector<1x512xf32> to vector<1024x512xf32>
    %add3A_320 = arith.addf %add3A_318, %add3A_319 : vector<1024x512xf32>
    %add3A_321 = arith.addf %add3A_320, %dot_general3A_314 : vector<1024x512xf32>
    %iota3A_322 = tpu.iota {dimensions = array<i32: 1>} : vector<1024x512xi32>
    %add3A_323 = arith.constant 4608 : i32
    %add3A_324 = vector.broadcast %add3A_323 : i32 to vector<1024x512xi32>
    %add3A_325 = arith.addi %iota3A_322, %add3A_324 : vector<1024x512xi32>
    %reduce_min3A_326 = arith.constant dense<0x7F800000> : vector<1024xf32>
    %reduce_min3A_327 = vector.multi_reduction <minimumf>, %add3A_321, %reduce_min3A_326 [1] : vector<1024x512xf32> to vector<1024xf32>
    %broadcast_in_dim3A_328 = vector.shape_cast %reduce_min3A_327 : vector<1024xf32> to vector<1024x1xf32>
    %eq3A_329 = vector.broadcast %broadcast_in_dim3A_328 : vector<1024x1xf32> to vector<1024x512xf32>
    %eq3A_330 = arith.cmpf oeq, %add3A_321, %eq3A_329 : vector<1024x512xf32>
    %jit3A_331 = arith.constant 1073741824 : i32
    %broadcast_in_dim3A_332 = vector.broadcast %jit3A_331 : i32 to vector<1024x512xi32>
    %select_n3A_333 = arith.select %eq3A_330, %add3A_325, %broadcast_in_dim3A_332 : vector<1024x512xi1>, vector<1024x512xi32>
    %reduce_min3A_334 = arith.constant dense<2147483647> : vector<1024xi32>
    %reduce_min3A_335 = vector.multi_reduction <minsi>, %select_n3A_333, %reduce_min3A_334 [1] : vector<1024x512xi32> to vector<1024xi32>
    %broadcast_in_dim3A_336 = vector.shape_cast %reduce_min3A_335 : vector<1024xi32> to vector<1024x1xi32>
    %lt3A_337 = arith.cmpf olt, %broadcast_in_dim3A_328, %select_n3A_308 : vector<1024x1xf32>
    %select_n3A_338 = arith.select %lt3A_337, %broadcast_in_dim3A_328, %select_n3A_308 : vector<1024x1xi1>, vector<1024x1xf32>
    %select_n3A_339 = arith.select %lt3A_337, %broadcast_in_dim3A_336, %select_n3A_309 : vector<1024x1xi1>, vector<1024x1xi32>
    %get3A_340 = arith.constant 5120 : index
    %get3A_341 = arith.constant 0 : index
    %get3A_342 = vector.load %arg2[%get3A_340, %get3A_341] : memref<8192x256xbf16, #tpu.memory_space<vmem>>, vector<512x256xbf16>
    %dot_general3A_343 = arith.constant dense<0.000000e+00> : vector<1024x512xf32>
    %dot_general3A_344 = tpu.matmul %get3A_1, %get3A_342, %dot_general3A_343 {dimension_numbers = #tpu.dot_dimension_numbers<[1], [1], [0], [0], [0, 0, 1, 0], [], []>, transpose_lhs_hint = false} : vector<1024x256xbf16>, vector<512x256xbf16>, vector<1024x512xf32> -> vector<1024x512xf32>
    %get3A_345 = arith.constant 0 : index
    %get3A_346 = arith.constant 5120 : index
    %get3A_347 = vector.load %arg4[%get3A_345, %get3A_346] : memref<1x8192xf32, #tpu.memory_space<vmem>>, vector<1x512xf32>
    %add3A_348 = vector.broadcast %get3A_4 : vector<1024x1xf32> to vector<1024x512xf32>
    %add3A_349 = vector.broadcast %get3A_347 : vector<1x512xf32> to vector<1024x512xf32>
    %add3A_350 = arith.addf %add3A_348, %add3A_349 : vector<1024x512xf32>
    %add3A_351 = arith.addf %add3A_350, %dot_general3A_344 : vector<1024x512xf32>
    %iota3A_352 = tpu.iota {dimensions = array<i32: 1>} : vector<1024x512xi32>
    %add3A_353 = arith.constant 5120 : i32
    %add3A_354 = vector.broadcast %add3A_353 : i32 to vector<1024x512xi32>
    %add3A_355 = arith.addi %iota3A_352, %add3A_354 : vector<1024x512xi32>
    %ge3A_356 = arith.constant 2736 : i32
    %ge3A_357 = vector.broadcast %ge3A_356 : i32 to vector<1024x512xi32>
    %ge3A_358 = arith.cmpi sge, %add3A_355, %ge3A_357 : vector<1024x512xi32>
    %lt3A_359 = arith.constant 5472 : i32
    %lt3A_360 = vector.broadcast %lt3A_359 : i32 to vector<1024x512xi32>
    %lt3A_361 = arith.cmpi slt, %add3A_355, %lt3A_360 : vector<1024x512xi32>
    %and3A_362 = arith.andi %ge3A_358, %lt3A_361 : vector<1024x512xi1>
    %jit3A_363 = arith.constant 0x7F800000 : f32
    %broadcast_in_dim3A_364 = vector.broadcast %jit3A_363 : f32 to vector<1024x512xf32>
    %select_n3A_365 = arith.select %and3A_362, %add3A_351, %broadcast_in_dim3A_364 : vector<1024x512xi1>, vector<1024x512xf32>
    %reduce_min3A_366 = arith.constant dense<0x7F800000> : vector<1024xf32>
    %reduce_min3A_367 = vector.multi_reduction <minimumf>, %select_n3A_365, %reduce_min3A_366 [1] : vector<1024x512xf32> to vector<1024xf32>
    %broadcast_in_dim3A_368 = vector.shape_cast %reduce_min3A_367 : vector<1024xf32> to vector<1024x1xf32>
    %eq3A_369 = vector.broadcast %broadcast_in_dim3A_368 : vector<1024x1xf32> to vector<1024x512xf32>
    %eq3A_370 = arith.cmpf oeq, %select_n3A_365, %eq3A_369 : vector<1024x512xf32>
    %jit3A_371 = arith.constant 1073741824 : i32
    %broadcast_in_dim3A_372 = vector.broadcast %jit3A_371 : i32 to vector<1024x512xi32>
    %select_n3A_373 = arith.select %eq3A_370, %add3A_355, %broadcast_in_dim3A_372 : vector<1024x512xi1>, vector<1024x512xi32>
    %reduce_min3A_374 = arith.constant dense<2147483647> : vector<1024xi32>
    %reduce_min3A_375 = vector.multi_reduction <minsi>, %select_n3A_373, %reduce_min3A_374 [1] : vector<1024x512xi32> to vector<1024xi32>
    %broadcast_in_dim3A_376 = vector.shape_cast %reduce_min3A_375 : vector<1024xi32> to vector<1024x1xi32>
    %lt3A_377 = arith.cmpf olt, %broadcast_in_dim3A_368, %select_n3A_338 : vector<1024x1xf32>
    %select_n3A_378 = arith.select %lt3A_377, %broadcast_in_dim3A_368, %select_n3A_338 : vector<1024x1xi1>, vector<1024x1xf32>
    %select_n3A_379 = arith.select %lt3A_377, %broadcast_in_dim3A_376, %select_n3A_339 : vector<1024x1xi1>, vector<1024x1xi32>
    %ge3A_380 = arith.constant 5472 : i32
    %ge3A_381 = vector.broadcast %ge3A_380 : i32 to vector<1024x512xi32>
    %ge3A_382 = arith.cmpi sge, %add3A_355, %ge3A_381 : vector<1024x512xi32>
    %lt3A_383 = arith.constant 8192 : i32
    %lt3A_384 = vector.broadcast %lt3A_383 : i32 to vector<1024x512xi32>
    %lt3A_385 = arith.cmpi slt, %add3A_355, %lt3A_384 : vector<1024x512xi32>
    %and3A_386 = arith.andi %ge3A_382, %lt3A_385 : vector<1024x512xi1>
    %jit3A_387 = arith.constant 0x7F800000 : f32
    %broadcast_in_dim3A_388 = vector.broadcast %jit3A_387 : f32 to vector<1024x512xf32>
    %select_n3A_389 = arith.select %and3A_386, %add3A_351, %broadcast_in_dim3A_388 : vector<1024x512xi1>, vector<1024x512xf32>
    %reduce_min3A_390 = arith.constant dense<0x7F800000> : vector<1024xf32>
    %reduce_min3A_391 = vector.multi_reduction <minimumf>, %select_n3A_389, %reduce_min3A_390 [1] : vector<1024x512xf32> to vector<1024xf32>
    %broadcast_in_dim3A_392 = vector.shape_cast %reduce_min3A_391 : vector<1024xf32> to vector<1024x1xf32>
    %eq3A_393 = vector.broadcast %broadcast_in_dim3A_392 : vector<1024x1xf32> to vector<1024x512xf32>
    %eq3A_394 = arith.cmpf oeq, %select_n3A_389, %eq3A_393 : vector<1024x512xf32>
    %jit3A_395 = arith.constant 1073741824 : i32
    %broadcast_in_dim3A_396 = vector.broadcast %jit3A_395 : i32 to vector<1024x512xi32>
    %select_n3A_397 = arith.select %eq3A_394, %add3A_355, %broadcast_in_dim3A_396 : vector<1024x512xi1>, vector<1024x512xi32>
    %reduce_min3A_398 = arith.constant dense<2147483647> : vector<1024xi32>
    %reduce_min3A_399 = vector.multi_reduction <minsi>, %select_n3A_397, %reduce_min3A_398 [1] : vector<1024x512xi32> to vector<1024xi32>
    %broadcast_in_dim3A_400 = vector.shape_cast %reduce_min3A_399 : vector<1024xi32> to vector<1024x1xi32>
    %lt3A_401 = arith.cmpf olt, %broadcast_in_dim3A_392, %broadcast_in_dim3A_9 : vector<1024x1xf32>
    %select_n3A_402 = arith.select %lt3A_401, %broadcast_in_dim3A_392, %broadcast_in_dim3A_9 : vector<1024x1xi1>, vector<1024x1xf32>
    %select_n3A_403 = arith.select %lt3A_401, %broadcast_in_dim3A_400, %broadcast_in_dim3A_15 : vector<1024x1xi1>, vector<1024x1xi32>
    %get3A_404 = arith.constant 5632 : index
    %get3A_405 = arith.constant 0 : index
    %get3A_406 = vector.load %arg2[%get3A_404, %get3A_405] : memref<8192x256xbf16, #tpu.memory_space<vmem>>, vector<512x256xbf16>
    %dot_general3A_407 = arith.constant dense<0.000000e+00> : vector<1024x512xf32>
    %dot_general3A_408 = tpu.matmul %get3A_1, %get3A_406, %dot_general3A_407 {dimension_numbers = #tpu.dot_dimension_numbers<[1], [1], [0], [0], [0, 0, 1, 0], [], []>, transpose_lhs_hint = false} : vector<1024x256xbf16>, vector<512x256xbf16>, vector<1024x512xf32> -> vector<1024x512xf32>
    %get3A_409 = arith.constant 0 : index
    %get3A_410 = arith.constant 5632 : index
    %get3A_411 = vector.load %arg4[%get3A_409, %get3A_410] : memref<1x8192xf32, #tpu.memory_space<vmem>>, vector<1x512xf32>
    %add3A_412 = vector.broadcast %get3A_4 : vector<1024x1xf32> to vector<1024x512xf32>
    %add3A_413 = vector.broadcast %get3A_411 : vector<1x512xf32> to vector<1024x512xf32>
    %add3A_414 = arith.addf %add3A_412, %add3A_413 : vector<1024x512xf32>
    %add3A_415 = arith.addf %add3A_414, %dot_general3A_408 : vector<1024x512xf32>
    %iota3A_416 = tpu.iota {dimensions = array<i32: 1>} : vector<1024x512xi32>
    %add3A_417 = arith.constant 5632 : i32
    %add3A_418 = vector.broadcast %add3A_417 : i32 to vector<1024x512xi32>
    %add3A_419 = arith.addi %iota3A_416, %add3A_418 : vector<1024x512xi32>
    %reduce_min3A_420 = arith.constant dense<0x7F800000> : vector<1024xf32>
    %reduce_min3A_421 = vector.multi_reduction <minimumf>, %add3A_415, %reduce_min3A_420 [1] : vector<1024x512xf32> to vector<1024xf32>
    %broadcast_in_dim3A_422 = vector.shape_cast %reduce_min3A_421 : vector<1024xf32> to vector<1024x1xf32>
    %eq3A_423 = vector.broadcast %broadcast_in_dim3A_422 : vector<1024x1xf32> to vector<1024x512xf32>
    %eq3A_424 = arith.cmpf oeq, %add3A_415, %eq3A_423 : vector<1024x512xf32>
    %jit3A_425 = arith.constant 1073741824 : i32
    %broadcast_in_dim3A_426 = vector.broadcast %jit3A_425 : i32 to vector<1024x512xi32>
    %select_n3A_427 = arith.select %eq3A_424, %add3A_419, %broadcast_in_dim3A_426 : vector<1024x512xi1>, vector<1024x512xi32>
    %reduce_min3A_428 = arith.constant dense<2147483647> : vector<1024xi32>
    %reduce_min3A_429 = vector.multi_reduction <minsi>, %select_n3A_427, %reduce_min3A_428 [1] : vector<1024x512xi32> to vector<1024xi32>
    %broadcast_in_dim3A_430 = vector.shape_cast %reduce_min3A_429 : vector<1024xi32> to vector<1024x1xi32>
    %lt3A_431 = arith.cmpf olt, %broadcast_in_dim3A_422, %select_n3A_402 : vector<1024x1xf32>
    %select_n3A_432 = arith.select %lt3A_431, %broadcast_in_dim3A_422, %select_n3A_402 : vector<1024x1xi1>, vector<1024x1xf32>
    %select_n3A_433 = arith.select %lt3A_431, %broadcast_in_dim3A_430, %select_n3A_403 : vector<1024x1xi1>, vector<1024x1xi32>
    %get3A_434 = arith.constant 6144 : index
    %get3A_435 = arith.constant 0 : index
    %get3A_436 = vector.load %arg2[%get3A_434, %get3A_435] : memref<8192x256xbf16, #tpu.memory_space<vmem>>, vector<512x256xbf16>
    %dot_general3A_437 = arith.constant dense<0.000000e+00> : vector<1024x512xf32>
    %dot_general3A_438 = tpu.matmul %get3A_1, %get3A_436, %dot_general3A_437 {dimension_numbers = #tpu.dot_dimension_numbers<[1], [1], [0], [0], [0, 0, 1, 0], [], []>, transpose_lhs_hint = false} : vector<1024x256xbf16>, vector<512x256xbf16>, vector<1024x512xf32> -> vector<1024x512xf32>
    %get3A_439 = arith.constant 0 : index
    %get3A_440 = arith.constant 6144 : index
    %get3A_441 = vector.load %arg4[%get3A_439, %get3A_440] : memref<1x8192xf32, #tpu.memory_space<vmem>>, vector<1x512xf32>
    %add3A_442 = vector.broadcast %get3A_4 : vector<1024x1xf32> to vector<1024x512xf32>
    %add3A_443 = vector.broadcast %get3A_441 : vector<1x512xf32> to vector<1024x512xf32>
    %add3A_444 = arith.addf %add3A_442, %add3A_443 : vector<1024x512xf32>
    %add3A_445 = arith.addf %add3A_444, %dot_general3A_438 : vector<1024x512xf32>
    %iota3A_446 = tpu.iota {dimensions = array<i32: 1>} : vector<1024x512xi32>
    %add3A_447 = arith.constant 6144 : i32
    %add3A_448 = vector.broadcast %add3A_447 : i32 to vector<1024x512xi32>
    %add3A_449 = arith.addi %iota3A_446, %add3A_448 : vector<1024x512xi32>
    %reduce_min3A_450 = arith.constant dense<0x7F800000> : vector<1024xf32>
    %reduce_min3A_451 = vector.multi_reduction <minimumf>, %add3A_445, %reduce_min3A_450 [1] : vector<1024x512xf32> to vector<1024xf32>
    %broadcast_in_dim3A_452 = vector.shape_cast %reduce_min3A_451 : vector<1024xf32> to vector<1024x1xf32>
    %eq3A_453 = vector.broadcast %broadcast_in_dim3A_452 : vector<1024x1xf32> to vector<1024x512xf32>
    %eq3A_454 = arith.cmpf oeq, %add3A_445, %eq3A_453 : vector<1024x512xf32>
    %jit3A_455 = arith.constant 1073741824 : i32
    %broadcast_in_dim3A_456 = vector.broadcast %jit3A_455 : i32 to vector<1024x512xi32>
    %select_n3A_457 = arith.select %eq3A_454, %add3A_449, %broadcast_in_dim3A_456 : vector<1024x512xi1>, vector<1024x512xi32>
    %reduce_min3A_458 = arith.constant dense<2147483647> : vector<1024xi32>
    %reduce_min3A_459 = vector.multi_reduction <minsi>, %select_n3A_457, %reduce_min3A_458 [1] : vector<1024x512xi32> to vector<1024xi32>
    %broadcast_in_dim3A_460 = vector.shape_cast %reduce_min3A_459 : vector<1024xi32> to vector<1024x1xi32>
    %lt3A_461 = arith.cmpf olt, %broadcast_in_dim3A_452, %select_n3A_432 : vector<1024x1xf32>
    %select_n3A_462 = arith.select %lt3A_461, %broadcast_in_dim3A_452, %select_n3A_432 : vector<1024x1xi1>, vector<1024x1xf32>
    %select_n3A_463 = arith.select %lt3A_461, %broadcast_in_dim3A_460, %select_n3A_433 : vector<1024x1xi1>, vector<1024x1xi32>
    %get3A_464 = arith.constant 6656 : index
    %get3A_465 = arith.constant 0 : index
    %get3A_466 = vector.load %arg2[%get3A_464, %get3A_465] : memref<8192x256xbf16, #tpu.memory_space<vmem>>, vector<512x256xbf16>
    %dot_general3A_467 = arith.constant dense<0.000000e+00> : vector<1024x512xf32>
    %dot_general3A_468 = tpu.matmul %get3A_1, %get3A_466, %dot_general3A_467 {dimension_numbers = #tpu.dot_dimension_numbers<[1], [1], [0], [0], [0, 0, 1, 0], [], []>, transpose_lhs_hint = false} : vector<1024x256xbf16>, vector<512x256xbf16>, vector<1024x512xf32> -> vector<1024x512xf32>
    %get3A_469 = arith.constant 0 : index
    %get3A_470 = arith.constant 6656 : index
    %get3A_471 = vector.load %arg4[%get3A_469, %get3A_470] : memref<1x8192xf32, #tpu.memory_space<vmem>>, vector<1x512xf32>
    %add3A_472 = vector.broadcast %get3A_4 : vector<1024x1xf32> to vector<1024x512xf32>
    %add3A_473 = vector.broadcast %get3A_471 : vector<1x512xf32> to vector<1024x512xf32>
    %add3A_474 = arith.addf %add3A_472, %add3A_473 : vector<1024x512xf32>
    %add3A_475 = arith.addf %add3A_474, %dot_general3A_468 : vector<1024x512xf32>
    %iota3A_476 = tpu.iota {dimensions = array<i32: 1>} : vector<1024x512xi32>
    %add3A_477 = arith.constant 6656 : i32
    %add3A_478 = vector.broadcast %add3A_477 : i32 to vector<1024x512xi32>
    %add3A_479 = arith.addi %iota3A_476, %add3A_478 : vector<1024x512xi32>
    %reduce_min3A_480 = arith.constant dense<0x7F800000> : vector<1024xf32>
    %reduce_min3A_481 = vector.multi_reduction <minimumf>, %add3A_475, %reduce_min3A_480 [1] : vector<1024x512xf32> to vector<1024xf32>
    %broadcast_in_dim3A_482 = vector.shape_cast %reduce_min3A_481 : vector<1024xf32> to vector<1024x1xf32>
    %eq3A_483 = vector.broadcast %broadcast_in_dim3A_482 : vector<1024x1xf32> to vector<1024x512xf32>
    %eq3A_484 = arith.cmpf oeq, %add3A_475, %eq3A_483 : vector<1024x512xf32>
    %jit3A_485 = arith.constant 1073741824 : i32
    %broadcast_in_dim3A_486 = vector.broadcast %jit3A_485 : i32 to vector<1024x512xi32>
    %select_n3A_487 = arith.select %eq3A_484, %add3A_479, %broadcast_in_dim3A_486 : vector<1024x512xi1>, vector<1024x512xi32>
    %reduce_min3A_488 = arith.constant dense<2147483647> : vector<1024xi32>
    %reduce_min3A_489 = vector.multi_reduction <minsi>, %select_n3A_487, %reduce_min3A_488 [1] : vector<1024x512xi32> to vector<1024xi32>
    %broadcast_in_dim3A_490 = vector.shape_cast %reduce_min3A_489 : vector<1024xi32> to vector<1024x1xi32>
    %lt3A_491 = arith.cmpf olt, %broadcast_in_dim3A_482, %select_n3A_462 : vector<1024x1xf32>
    %select_n3A_492 = arith.select %lt3A_491, %broadcast_in_dim3A_482, %select_n3A_462 : vector<1024x1xi1>, vector<1024x1xf32>
    %select_n3A_493 = arith.select %lt3A_491, %broadcast_in_dim3A_490, %select_n3A_463 : vector<1024x1xi1>, vector<1024x1xi32>
    %get3A_494 = arith.constant 7168 : index
    %get3A_495 = arith.constant 0 : index
    %get3A_496 = vector.load %arg2[%get3A_494, %get3A_495] : memref<8192x256xbf16, #tpu.memory_space<vmem>>, vector<512x256xbf16>
    %dot_general3A_497 = arith.constant dense<0.000000e+00> : vector<1024x512xf32>
    %dot_general3A_498 = tpu.matmul %get3A_1, %get3A_496, %dot_general3A_497 {dimension_numbers = #tpu.dot_dimension_numbers<[1], [1], [0], [0], [0, 0, 1, 0], [], []>, transpose_lhs_hint = false} : vector<1024x256xbf16>, vector<512x256xbf16>, vector<1024x512xf32> -> vector<1024x512xf32>
    %get3A_499 = arith.constant 0 : index
    %get3A_500 = arith.constant 7168 : index
    %get3A_501 = vector.load %arg4[%get3A_499, %get3A_500] : memref<1x8192xf32, #tpu.memory_space<vmem>>, vector<1x512xf32>
    %add3A_502 = vector.broadcast %get3A_4 : vector<1024x1xf32> to vector<1024x512xf32>
    %add3A_503 = vector.broadcast %get3A_501 : vector<1x512xf32> to vector<1024x512xf32>
    %add3A_504 = arith.addf %add3A_502, %add3A_503 : vector<1024x512xf32>
    %add3A_505 = arith.addf %add3A_504, %dot_general3A_498 : vector<1024x512xf32>
    %iota3A_506 = tpu.iota {dimensions = array<i32: 1>} : vector<1024x512xi32>
    %add3A_507 = arith.constant 7168 : i32
    %add3A_508 = vector.broadcast %add3A_507 : i32 to vector<1024x512xi32>
    %add3A_509 = arith.addi %iota3A_506, %add3A_508 : vector<1024x512xi32>
    %reduce_min3A_510 = arith.constant dense<0x7F800000> : vector<1024xf32>
    %reduce_min3A_511 = vector.multi_reduction <minimumf>, %add3A_505, %reduce_min3A_510 [1] : vector<1024x512xf32> to vector<1024xf32>
    %broadcast_in_dim3A_512 = vector.shape_cast %reduce_min3A_511 : vector<1024xf32> to vector<1024x1xf32>
    %eq3A_513 = vector.broadcast %broadcast_in_dim3A_512 : vector<1024x1xf32> to vector<1024x512xf32>
    %eq3A_514 = arith.cmpf oeq, %add3A_505, %eq3A_513 : vector<1024x512xf32>
    %jit3A_515 = arith.constant 1073741824 : i32
    %broadcast_in_dim3A_516 = vector.broadcast %jit3A_515 : i32 to vector<1024x512xi32>
    %select_n3A_517 = arith.select %eq3A_514, %add3A_509, %broadcast_in_dim3A_516 : vector<1024x512xi1>, vector<1024x512xi32>
    %reduce_min3A_518 = arith.constant dense<2147483647> : vector<1024xi32>
    %reduce_min3A_519 = vector.multi_reduction <minsi>, %select_n3A_517, %reduce_min3A_518 [1] : vector<1024x512xi32> to vector<1024xi32>
    %broadcast_in_dim3A_520 = vector.shape_cast %reduce_min3A_519 : vector<1024xi32> to vector<1024x1xi32>
    %lt3A_521 = arith.cmpf olt, %broadcast_in_dim3A_512, %select_n3A_492 : vector<1024x1xf32>
    %select_n3A_522 = arith.select %lt3A_521, %broadcast_in_dim3A_512, %select_n3A_492 : vector<1024x1xi1>, vector<1024x1xf32>
    %select_n3A_523 = arith.select %lt3A_521, %broadcast_in_dim3A_520, %select_n3A_493 : vector<1024x1xi1>, vector<1024x1xi32>
    %get3A_524 = arith.constant 7680 : index
    %get3A_525 = arith.constant 0 : index
    %get3A_526 = vector.load %arg2[%get3A_524, %get3A_525] : memref<8192x256xbf16, #tpu.memory_space<vmem>>, vector<512x256xbf16>
    %dot_general3A_527 = arith.constant dense<0.000000e+00> : vector<1024x512xf32>
    %dot_general3A_528 = tpu.matmul %get3A_1, %get3A_526, %dot_general3A_527 {dimension_numbers = #tpu.dot_dimension_numbers<[1], [1], [0], [0], [0, 0, 1, 0], [], []>, transpose_lhs_hint = false} : vector<1024x256xbf16>, vector<512x256xbf16>, vector<1024x512xf32> -> vector<1024x512xf32>
    %get3A_529 = arith.constant 0 : index
    %get3A_530 = arith.constant 7680 : index
    %get3A_531 = vector.load %arg4[%get3A_529, %get3A_530] : memref<1x8192xf32, #tpu.memory_space<vmem>>, vector<1x512xf32>
    %add3A_532 = vector.broadcast %get3A_4 : vector<1024x1xf32> to vector<1024x512xf32>
    %add3A_533 = vector.broadcast %get3A_531 : vector<1x512xf32> to vector<1024x512xf32>
    %add3A_534 = arith.addf %add3A_532, %add3A_533 : vector<1024x512xf32>
    %add3A_535 = arith.addf %add3A_534, %dot_general3A_528 : vector<1024x512xf32>
    %iota3A_536 = tpu.iota {dimensions = array<i32: 1>} : vector<1024x512xi32>
    %add3A_537 = arith.constant 7680 : i32
    %add3A_538 = vector.broadcast %add3A_537 : i32 to vector<1024x512xi32>
    %add3A_539 = arith.addi %iota3A_536, %add3A_538 : vector<1024x512xi32>
    %reduce_min3A_540 = arith.constant dense<0x7F800000> : vector<1024xf32>
    %reduce_min3A_541 = vector.multi_reduction <minimumf>, %add3A_535, %reduce_min3A_540 [1] : vector<1024x512xf32> to vector<1024xf32>
    %broadcast_in_dim3A_542 = vector.shape_cast %reduce_min3A_541 : vector<1024xf32> to vector<1024x1xf32>
    %eq3A_543 = vector.broadcast %broadcast_in_dim3A_542 : vector<1024x1xf32> to vector<1024x512xf32>
    %eq3A_544 = arith.cmpf oeq, %add3A_535, %eq3A_543 : vector<1024x512xf32>
    %jit3A_545 = arith.constant 1073741824 : i32
    %broadcast_in_dim3A_546 = vector.broadcast %jit3A_545 : i32 to vector<1024x512xi32>
    %select_n3A_547 = arith.select %eq3A_544, %add3A_539, %broadcast_in_dim3A_546 : vector<1024x512xi1>, vector<1024x512xi32>
    %reduce_min3A_548 = arith.constant dense<2147483647> : vector<1024xi32>
    %reduce_min3A_549 = vector.multi_reduction <minsi>, %select_n3A_547, %reduce_min3A_548 [1] : vector<1024x512xi32> to vector<1024xi32>
    %broadcast_in_dim3A_550 = vector.shape_cast %reduce_min3A_549 : vector<1024xi32> to vector<1024x1xi32>
    %lt3A_551 = arith.cmpf olt, %broadcast_in_dim3A_542, %select_n3A_522 : vector<1024x1xf32>
    %select_n3A_552 = arith.select %lt3A_551, %broadcast_in_dim3A_542, %select_n3A_522 : vector<1024x1xi1>, vector<1024x1xf32>
    %select_n3A_553 = arith.select %lt3A_551, %broadcast_in_dim3A_550, %select_n3A_523 : vector<1024x1xi1>, vector<1024x1xi32>
    %broadcast_in_dim3A_554 = arith.constant 0x7F800000 : f32
    %broadcast_in_dim3A_555 = vector.broadcast %broadcast_in_dim3A_554 : f32 to vector<1024x1xf32>
    %broadcast_in_dim3A_556 = arith.constant 0 : i32
    %broadcast_in_dim3A_557 = vector.broadcast %broadcast_in_dim3A_556 : i32 to vector<1024x1xi32>
    %lt3A_558 = arith.cmpf olt, %select_n3A_194, %broadcast_in_dim3A_555 : vector<1024x1xf32>
    %convert_element_type3A = arith.truncf %select_n3A_194 : vector<1024x1xf32> to vector<1024x1xbf16>
    %convert_element_type3A_559 = arith.extf %convert_element_type3A : vector<1024x1xbf16> to vector<1024x1xf32>
    %select_n3A_560 = arith.select %lt3A_558, %convert_element_type3A_559, %broadcast_in_dim3A_555 : vector<1024x1xi1>, vector<1024x1xf32>
    %select_n3A_561 = arith.select %lt3A_558, %select_n3A_195, %broadcast_in_dim3A_557 : vector<1024x1xi1>, vector<1024x1xi32>
    %lt3A_562 = arith.cmpf olt, %select_n3A_378, %select_n3A_560 : vector<1024x1xf32>
    %convert_element_type3A_563 = arith.truncf %select_n3A_378 : vector<1024x1xf32> to vector<1024x1xbf16>
    %convert_element_type3A_564 = arith.extf %convert_element_type3A_563 : vector<1024x1xbf16> to vector<1024x1xf32>
    %select_n3A_565 = arith.select %lt3A_562, %convert_element_type3A_564, %select_n3A_560 : vector<1024x1xi1>, vector<1024x1xf32>
    %select_n3A_566 = arith.select %lt3A_562, %select_n3A_379, %select_n3A_561 : vector<1024x1xi1>, vector<1024x1xi32>
    %lt3A_567 = arith.cmpf olt, %select_n3A_552, %select_n3A_565 : vector<1024x1xf32>
    %select_n3A_568 = arith.select %lt3A_567, %select_n3A_553, %select_n3A_566 : vector<1024x1xi1>, vector<1024x1xi32>
    %reshape3A = vector.shape_cast %select_n3A_568 : vector<1024x1xi32> to vector<1x1024xi32>
    %swap3A = arith.constant 0 : index
    %swap3A_569 = arith.constant 0 : index
    %swap3A_570 = vector.load %arg5[%swap3A, %swap3A_569] : memref<1x1024xi32, #tpu.memory_space<vmem>>, vector<1x1024xi32>
    tpu.vector_store %arg5[%swap3A, %swap3A_569], %reshape3A {strides = array<i32>} : memref<1x1024xi32, #tpu.memory_space<vmem>>, vector<1x1024xi32>,
    %min3A = arith.minimumf %select_n3A_194, %select_n3A_378 : vector<1024x1xf32>
    %min3A_571 = arith.minimumf %min3A, %select_n3A_552 : vector<1024x1xf32>
    %eq3A_572 = arith.constant 0 : i32
    %eq3A_573 = arith.cmpi eq, %arg0, %eq3A_572 : i32
    %convert_element_type3A_574 = arith.extui %eq3A_573 : i1 to i32
    %cond3A = arith.constant 0 : i32
    %cond3A_575 = arith.cmpi ne, %convert_element_type3A_574, %cond3A : i32
    scf.if %cond3A_575 {
      %broadcast_in_dim3A_593 = arith.constant 0.000000e+00 : f32
      %broadcast_in_dim3A_594 = vector.broadcast %broadcast_in_dim3A_593 : f32 to vector<1x1xf32>
      %swap3A_595 = arith.constant 0 : index
      %swap3A_596 = arith.constant 0 : index
      %swap3A_597 = vector.load %arg6[%swap3A_595, %swap3A_596] : memref<1x1xf32, #tpu.memory_space<vmem>>, vector<1x1xf32>
      tpu.vector_store %arg6[%swap3A_595, %swap3A_596], %broadcast_in_dim3A_594 {strides = array<i32>} : memref<1x1xf32, #tpu.memory_space<vmem>>, vector<1x1xf32>,
    } else {
    }
    %get3A_576 = arith.constant 0 : index
    %get3A_577 = arith.constant 0 : index
    %get3A_578 = vector.load %arg6[%get3A_576, %get3A_577] : memref<1x1xf32, #tpu.memory_space<vmem>>, vector<1x1xf32>
    %reduce_sum3A = vector.shape_cast %min3A_571 : vector<1024x1xf32> to vector<1x1024x1xf32>
    %reduce_sum3A_579 = arith.constant dense<0.000000e+00> : vector<1xf32>
    %reduce_sum3A_580 = vector.multi_reduction <add>, %reduce_sum3A, %reduce_sum3A_579 [1, 2] : vector<1x1024x1xf32> to vector<1xf32>
    %reduce_sum3A_581 = vector.shape_cast %reduce_sum3A_580 : vector<1xf32> to vector<1x1x1xf32>
    %reduce_sum3A_582 = vector.extract %reduce_sum3A_581[0, 0, 0] : f32 from vector<1x1x1xf32>
    %broadcast_in_dim3A_583 = vector.broadcast %reduce_sum3A_582 : f32 to vector<1x1xf32>
    %add3A_584 = arith.addf %get3A_578, %broadcast_in_dim3A_583 : vector<1x1xf32>
    %swap3A_585 = arith.constant 0 : index
    %swap3A_586 = arith.constant 0 : index
    %swap3A_587 = vector.load %arg6[%swap3A_585, %swap3A_586] : memref<1x1xf32, #tpu.memory_space<vmem>>, vector<1x1xf32>
    tpu.vector_store %arg6[%swap3A_585, %swap3A_586], %add3A_584 {strides = array<i32>} : memref<1x1xf32, #tpu.memory_space<vmem>>, vector<1x1xf32>,
    %eq3A_588 = arith.constant 15 : i32
    %eq3A_589 = arith.cmpi eq, %arg0, %eq3A_588 : i32
    %convert_element_type3A_590 = arith.extui %eq3A_589 : i1 to i32
    %cond3A_591 = arith.constant 0 : i32
    %cond3A_592 = arith.cmpi ne, %convert_element_type3A_590, %cond3A_591 : i32
    scf.if %cond3A_592 {
      %get3A_593 = arith.constant 0 : index
      %get3A_594 = arith.constant 0 : index
      %get3A_595 = vector.load %arg6[%get3A_593, %get3A_594] : memref<1x1xf32, #tpu.memory_space<vmem>>, vector<1x1xf32>
      %div3A = arith.constant 2.500000e-01 : f32
      %div3A_596 = arith.constant 0x4A800000 : f32
      %div3A_597 = arith.divf %div3A, %div3A_596 : f32
      %mul3A = vector.broadcast %div3A_597 : f32 to vector<1x1xf32>
      %mul3A_598 = arith.mulf %get3A_595, %mul3A : vector<1x1xf32>
      %swap3A_599 = arith.constant 0 : index
      %swap3A_600 = arith.constant 0 : index
      %swap3A_601 = vector.load %arg6[%swap3A_599, %swap3A_600] : memref<1x1xf32, #tpu.memory_space<vmem>>, vector<1x1xf32>
      tpu.vector_store %arg6[%swap3A_599, %swap3A_600], %mul3A_598 {strides = array<i32>} : memref<1x1xf32, #tpu.memory_space<vmem>>, vector<1x1xf32>,
    } else {
    }
    return
  }
  func.func @transform_0(%arg0: i32) -> (i32, i32) {
    %c0_i32 = arith.constant 0 : i32
    %c0_i32_0 = arith.constant 0 : i32
    return %arg0, %c0_i32 : i32, i32
  }
  func.func @transform_1(%arg0: i32) -> (i32, i32) {
    %c0_i32 = arith.constant 0 : i32
    %c0_i32_0 = arith.constant 0 : i32
    %c0_i32_1 = arith.constant 0 : i32
    return %c0_i32, %c0_i32_0 : i32, i32
  }
  func.func @transform_2(%arg0: i32) -> (i32, i32) {
    %c0_i32 = arith.constant 0 : i32
    %c0_i32_0 = arith.constant 0 : i32
    return %arg0, %c0_i32 : i32, i32
  }
  func.func @transform_3(%arg0: i32) -> (i32, i32) {
    %c0_i32 = arith.constant 0 : i32
    %c0_i32_0 = arith.constant 0 : i32
    %c0_i32_1 = arith.constant 0 : i32
    return %c0_i32, %c0_i32_0 : i32, i32
  }
  func.func @transform_4(%arg0: i32) -> (i32, i32) {
    %c0_i32 = arith.constant 0 : i32
    %c0_i32_0 = arith.constant 0 : i32
    return %c0_i32, %arg0 : i32, i32
  }
  func.func @transform_5(%arg0: i32) -> (i32, i32) {
    %c0_i32 = arith.constant 0 : i32
    %c0_i32_0 = arith.constant 0 : i32
    %c0_i32_1 = arith.constant 0 : i32
    return %c0_i32, %c0_i32_0 : i32, i32
  }
}

</mosaic_0001>

<sc_bundles>
// kernel: kernel.4.cloned.1.call-start
scs
__scs_entry_jumppad:
0x0: {  	(pc) =	sbr.rel $0x88, $3  }
0x1: {  	(tag) =	ssettag $0x0;
	lr =	simm.s32 $0x1  }
0x2: {  	[smem:$0x3F9F] =	sst lr;
	_ =	strace $0xD0000000  }
0x3: {  	_ = 	snop  }
0x4: {  	_ = 	snop  }
0x5: {  	_ = 	snop  }
0x6: {  	_ = 	snop  }
0x7: {  	_ = 	snop  }
__scs_overlays_trampoline_lowered:
0x8: {  	[smem:$0x3FAE] =	sst s0  }
0x9: {  	[smem:$0x3FAF] =	sst s1  }
0xa: {  	[smem:$0x3FB0] =	sst s2  }
0xb: {  	[smem:$0x3FB1] =	sst s3  }
0xc: {  	[smem:$0x3FB2] =	sst s4  }
0xd: {  	[smem:$0x3FB3] =	sst s5  }
0xe: {  	[smem:$0x3FB4] =	sst s6  }
0xf: {  	[smem:$0x3FB5] =	sst s7  }
0x10: {  	[smem:$0x3FB6] =	sst s8  }
0x11: {  	[smem:$0x3FB7] =	sst s9;
	s0 =	simm.s32 @!p0 $0x0  }
0x12: {  	s1 =	sld [smem:$0x3F9D];
	s0 =	simm.s32 @p0 $0x1  }
0x13: {  	[smem:$0x3FB8] =	sst s0;
	s0 =	simm.s32 @!p1 $0x0  }
0x14: {  	s2 =	sld [smem:$0x3F9C];
	s0 =	simm.s32 @p1 $0x1  }
0x15: {  	[smem:$0x3FB9] =	sst s0;
	s0 =	simm.s32 @!p2 $0x0  }
0x16: {  	s3 =	sld [smem:$0x3FDB];
	s0 =	simm.s32 @p2 $0x1  }
0x17: {  	s4 =	simm.s32 $0x1BF5;
	[smem:$0x3FBB] =	sst s0  }
0x18: {  	s0 =	sld [smem:$0x3F9E];
	_ =	swait.ge [sflag:s4], $0x0  }
0x19: {  	s7 =	sld [smem:$0x3F9F]  }
0x1a: {  	s8 =	sadd.s32 $0xFFFFE003, lr  }
0x1b: {  	s9 =	sadd.s32 $0xFFFFFEF7, lr;
	s5 =	simm.s32 $0xFFFFFFFF;
	p2 =	slt.u32 s8, $0xFFFFF086  }
0x1c: {  	p1 =	slt.u32 s9, $0xF7A;
	s5 =	simm.s32 @!p2 $0x0  }
0x1d: {  	s5 =	simm.s32 @p1 $0x1;
	p0 =	seq.s32 s7, s2  }
0x1e: {  	s7 =	smul.u32 @!p0 $0xF7A, s2;
	p2 =	seq.s32 @!p0 s5, $0x0  }
0x1f: {  	s9 =	smul.u32 $0xF7A, s1;
	s8 =	simm.s32 @!p0 $0x1BF5;
	p2 =	por !p2, p0  }
0x20: {  	[sflag:s8] =	ssyncset.s32 @!p0 $0xFFFFF086;
	s6 =	sadd.s32 @!p0 s3, s7;
	s7 =	simm.s32 @!p0 $0x108  }
0x21: {  	s3 =	sadd.s32 s3, s9;
	s6 =	sadd.s32 @!p0 $0x88, s6;
	s7 =	simm.s32 @p2 $0x1082  }
0x22: {  	[simem:s7], [sflag:s8] =	dma.local @!p0 [hbm:s6], $0xF7A  }
0x23: {  	s9 =	sor.u32 $0xD0000000, s2;
	s6 =	simm.s32 $0x108;
	_ =	swait.ge @!p0 [sflag:s8], $0x0  }
0x24: {  	s3 =	sadd.s32 $0x88, s3;
	s6 =	simm.s32 @!p1 $0x1082;
	[sflag:s4] =	ssyncset.s32 $0xFFFFF086  }
0x25: {  	[simem:s6], [sflag:s4] =	dma.local [hbm:s3], $0xF7A  }
0x26: {  	[smem:$0x3F9F] =	sst s1;
	(tag) =	ssettag s2;
	_ =	strace s9  }
0x27: {  	s1 =	sld [smem:$0x3FAF]  }
0x28: {  	s2 =	sld [smem:$0x3FB0]  }
0x29: {  	s4 =	sld [smem:$0x3FB2]  }
0x2a: {  	p0 =	seq.s32 s5, $0x0;
	s5 =	sld [smem:$0x3FB3]  }
0x2b: {  	s6 =	sld [smem:$0x3FB4]  }
0x2c: {  	s7 =	sld [smem:$0x3FB5]  }
0x2d: {  	s3 =	simm.s32 $0x108;
	s8 =	sld [smem:$0x3FB6]  }
0x2e: {  	s3 =	simm.s32 @!p0 $0x1082;
	s9 =	sld [smem:$0x3FB7]  }
0x2f: {  	lr =	sadd.s32 s0, s3;
	s0 =	sld [smem:$0x3FAE]  }
0x30: {  	s3 =	sld [smem:$0x3FB1]  }
0x31: {  	[smem:$0x3FBA] =	sst s10  }
0x32: {  	s10 =	sld [smem:$0x3FB8];
	_ =	sdelay $0x3  }
0x33: {  	p0 =	seq.s32 s10, $0x1;
	s10 =	sld [smem:$0x3FBA];
	_ =	sdelay $0x3  }
0x34: {  	[smem:$0x3FBA] =	sst s10  }
0x35: {  	s10 =	sld [smem:$0x3FB9];
	_ =	sdelay $0x3  }
0x36: {  	p1 =	seq.s32 s10, $0x1;
	s10 =	sld [smem:$0x3FBA];
	_ =	sdelay $0x3  }
0x37: {  	[smem:$0x3FBA] =	sst s10  }
0x38: {  	s10 =	sld [smem:$0x3FBB]  }
0x39: {  	_ = 	snop;
	(pc) =	sbr.ind lr, $3  }
0x3a: {  	_ = 	snop  }
0x3b: {  	_ = 	snop  }
0x3c: {  	p2 =	seq.s32 s10, $0x1;
	s10 =	sld [smem:$0x3FBA]  }
0x3d: {  	_ =	shalt  }
0x3e: {  	_ =	shalt  }
0x3f: {  	_ =	shalt  }
0x40: {  	_ =	shalt  }
0x41: {  	_ =	shalt  }
0x42: {  	_ =	shalt  }
0x43: {  	_ =	shalt  }
0x44: {  	_ =	shalt  }
0x45: {  	_ =	shalt  }
0x46: {  	_ =	shalt  }
0x47: {  	_ =	shalt  }
0x48: {  	_ =	shalt  }
0x49: {  	_ =	shalt  }
0x4a: {  	_ =	shalt  }
0x4b: {  	_ =	shalt  }
0x4c: {  	_ =	shalt  }
0x4d: {  	_ =	shalt  }
0x4e: {  	_ =	shalt  }
0x4f: {  	_ =	shalt  }
0x50: {  	_ =	shalt  }
0x51: {  	_ =	shalt  }
0x52: {  	_ =	shalt  }
0x53: {  	_ =	shalt  }
0x54: {  	_ =	shalt  }
0x55: {  	_ =	shalt  }
0x56: {  	_ =	shalt  }
0x57: {  	_ =	shalt  }
0x58: {  	_ =	shalt  }
0x59: {  	_ =	shalt  }
0x5a: {  	_ =	shalt  }
0x5b: {  	_ =	shalt  }
0x5c: {  	_ =	shalt  }
0x5d: {  	_ =	shalt  }
0x5e: {  	_ =	shalt  }
0x5f: {  	_ =	shalt  }
0x60: {  	_ =	shalt  }
0x61: {  	_ =	shalt  }
0x62: {  	_ =	shalt  }
0x63: {  	_ =	shalt  }
0x64: {  	_ =	shalt  }
0x65: {  	_ =	shalt  }
0x66: {  	_ =	shalt  }
0x67: {  	_ =	shalt  }
0x68: {  	_ =	shalt  }
0x69: {  	_ =	shalt  }
0x6a: {  	_ =	shalt  }
0x6b: {  	_ =	shalt  }
0x6c: {  	_ =	shalt  }
0x6d: {  	_ =	shalt  }
0x6e: {  	_ =	shalt  }
0x6f: {  	_ =	shalt  }
0x70: {  	_ =	shalt  }
0x71: {  	_ =	shalt  }
0x72: {  	_ =	shalt  }
0x73: {  	_ =	shalt  }
0x74: {  	_ =	shalt  }
0x75: {  	_ =	shalt  }
0x76: {  	_ =	shalt  }
0x77: {  	_ =	shalt  }
0x78: {  	_ =	shalt  }
0x79: {  	_ =	shalt  }
0x7a: {  	_ =	shalt  }
0x7b: {  	_ =	shalt  }
0x7c: {  	_ =	shalt  }
0x7d: {  	_ =	shalt  }
0x7e: {  	_ =	shalt  }
0x7f: {  	_ =	shalt  }
0x80: {  	_ =	shalt  }
0x81: {  	_ =	shalt  }
0x82: {  	_ =	shalt  }
0x83: {  	_ =	shalt  }
0x84: {  	_ =	shalt  }
0x85: {  	_ =	shalt  }
0x86: {  	_ =	shalt  }
0x87: {  	_ =	shalt  }
.Lfunc_end0:
.L_simem_size_0:
called_computation_lowered:
.L_overlay_start_0:
0x88: {  	s2 =	sld [smem:$0x3FD9]  }
0x89: {  	s3 =	sld [smem:$0x3FFE];
	_ =	sdelay $0x1  }
0x8a: {  	s1 =	srdreg.scid  }
0x8b: {  	s0 =	sand.u32 $0x1, s1  }
0x8c: {  	s14 =	sshll.u32 s0, $0xA;
	s2 =	sadd.s32 s3, s2  }
0x8d: {  	s2 =	sadd.s32 s2, s14  }
0x8e: {  	[smem:$0x3FC6] =	sst s2  }
0x8f: {  	_ = 	snop  }
0x90: {  	s2 =	sld [smem:$0x3FD0];
	_ =	sdelay $0x2  }
0x91: {  	s4 =	simm.s32 $0xA;
	s5 =	simm.s32 $0x10;
	s15 =	sld [smem:$0x3FC8]  }
0x92: {  	[smem:s5], [sflag:s4] =	dma.local [hbm:s2], $0x1  }
0x93: {  	_ =	swait.eq [sflag:s4], $0x1  }
0x94: {  	[sflag:s4] =	ssyncset.done $0x0  }
0x95: {  	[sflag:s4] =	ssyncadd.s32 $0xFFFFFFFF  }
0x96: {  	s16 =	sld [smem:$0x10];
	(tm) =	ssettm $0x1  }
0x97: {  	s17 =	sld [smem:$0x3FFB];
	_ =	sdelay $0x3  }
0x98: {  	_ =	strace s17  }
0x99: {  	s4 =	sld [smem:$0x3FFC];
	_ =	sdelay $0x3  }
0x9a: {  	_ =	strace s4  }
0x9b: {  	s4 =	sld [smem:$0x3FFD];
	_ =	sdelay $0x3  }
0x9c: {  	_ =	strace s4  }
0x9d: {  	_ =	strace $0x8FFFFFFF  }
0x9e: {  	s18 =	sld [smem:$0x3FDB];
	_ =	sdelay $0x1  }
0x9f: {  	s19 =	simm.s32 $_scs_section_size  }
0xa0: {  	s6 =	simm.s32 $_size__tile_overlayer_lowered;
	s7 =	simm.s32 $_tile_overlayer_lowered  }
0xa1: {  	s22 =	simm.s32 $0x1BFF;
	s21 =	sshll.u32 s7, $0x1;
	s4 =	sadd.s32 s19, s18  }
0xa2: {  	s8 =	simm.s32 $0x0;
	s20 =	sshll.u32 s6, $0x1;
	s6 =	sadd.s32 s21, s4  }
0xa3: {  	[timem:s8], [sflag:s22] =	dma.local [hbm:s6], s20  }
0xa4: {  	_ =	swait.ge [sflag:s22], s20  }
0xa5: {  	s5 =	ssub.s32 $0x0, s20;
	[sflag:s22] =	ssyncset.done $0x0  }
0xa6: {  	[sflag:s22] =	ssyncadd.s32 s5;
	_ =	sdelay $0x1  }
0xa7: {  	s23 =	simm.s32 $0x1B8B  }
0xa8: {  	_ =	swait.ge [sflag:s23], $0x1  }
0xa9: {  	[sflag:s23] =	ssyncset.done $0x0  }
0xaa: {  	s25 =	simm.s32 $0x1B8E;
	s24 =	sld [smem:$0x3FFE];
	[sflag:s23] =	ssyncadd.s32 $0xFFFFFFFF  }
0xab: {  	s26 =	simm.s32 $execute0_lowered;
	[smem:$0x3FD2] =	sst s25  }
0xac: {  	s6 =	sshll.u32 s26, $0x1;
	_ =	strace $0x80000046;
	[dreg:$0x1] =	wrdreg $0xFFFFFFFF  }
0xad: {  	s28 =	simm.s32 $_size_execute0_lowered;
	s4 =	sadd.s32 s4, s6;
	[dreg:$0x0] =	wrdreg $0x0  }
0xae: {  	s6 =	sshll.u32 s28, $0x1;
	[dreg:$0x2] =	wrdreg s4  }
0xaf: {  	[dreg:$0x3] =	wrdreg s6  }
0xb0: {  	[dreg:$0x4] =	wrdreg $0xC0  }
0xb1: {  	_ =	task [dreg:s8], $0x5FFFF  }
0xb2: {  	[dreg:$0x1] =	wrdreg $0xFFFFFFFF  }
0xb3: {  	[dreg:$0x0] =	wrdreg $0x60  }
0xb4: {  	[dreg:$0x2] =	wrdreg s15  }
0xb5: {  	[dreg:$0x3] =	wrdreg s24  }
0xb6: {  	[dreg:$0x4] =	wrdreg s16  }
0xb7: {  	[dreg:$0x5] =	wrdreg $0x9  }
0xb8: {  	_ =	task.clear_ibuf [dreg:s8], $0x6FFFF;
	_ =	strace $0x90000046  }
0xb9: {  	s29 =	simm.s32 $0x9;
	_ =	strace $0x80000048  }
0xba: {  	_ =	swait.ge [sflag:s29], $0x1  }
0xbb: {  	[sflag:s29] =	ssyncadd.s32 $0xFFFFFFFF  }
0xbc: {  	_ =	strace $0x90000048  }
0xbd: {  	_ =	sfence  }
0xbe: {  	s30 =	sld [smem:$0x0];
	_ =	sdelay $0x2  }
0xbf: {  	s31 =	sshll.u32 s1, $0xD;
	s1 =	sshrl.u32 s1, $0x2  }
0xc0: {  	s3 =	sand.u32 $0x4000, s31;
	s1 =	sadd.s32 s1, s30  }
0xc1: {  	s0 =	sor.u32 s3, s0;
	s1 =	sshll.u32 s1, $0x11  }
0xc2: {  	s0 =	sor.u32 s1, s0  }
0xc3: {  	s0 =	sadd.s32 $0x8F2B, s0  }
0xc4: {  	[sflag:s0] =	ssyncadd.remote.s32 $0x1  }
0xc5: {  	_ =	sfence.sel $0xFFFF  }
0xc6: {  	[dreg:$0x0] =	wrdreg $0xFFFFFFFF;
	(pc) =	sbr.abs _section_cstart, $3  }
0xc7: {  	[dreg:$0x1] =	wrdreg $0xFFFFFFFF  }
0xc8: {  	_ =	task.clear_ibuf [dreg:s8], $0x2FFFF;
	_ =	strace $0x9FFFFFFF  }
0xc9: {  	(tm) =	ssettm $0x7FFFFFFF  }
tec
execute0_lowered:
.L_overlay_start_1:
0x0: {  	(tag) =	ssettag $0x1  }
0x1: {  	s1 =	rddreg [dreg:$0x0]  }
0x2: {  	s0 =	rddreg [dreg:$0x1]  }
0x3: {  	s2 =	rddreg [dreg:$0x2]  }
0x4: {  	s3 =	srdreg.scid;
	s5 =	stileid.u32  }
0x5: {  	s14 =	simm.s32 $0x1;
	s16 =	simm.s32 $0x1200;
	s17 =	simm.s32 $0x1A00  }
0x6: {  	s18 =	simm.s32 $0x2200;
	s19 =	simm.s32 $0x2A00;
	s21 =	simm.s32 $0x3A00  }
0x7: {  	s28 =	simm.s32 $0x6A00;
	s29 =	simm.s32 $0x7200;
	s30 =	simm.s32 $0x7A00  }
0x8: {  	s31 =	simm.s32 $0x8200;
	s8 =	simm.s32 $0x9A00;
	s9 =	simm.s32 $0xA200  }
0x9: {  	s10 =	simm.s32 $0xAA00;
	s11 =	simm.s32 $0xB200;
	s12 =	simm.s32 $0xBA00  }
0xa: {  	s13 =	simm.s32 $0xC200;
	s7 =	simm.s32 $0xCA00;
	s4 =	sand.u32 $0x1, s3  }
0xb: {  	s3 =	simm.s32 $0x0;
	s5 =	sshll.u32 s5, $0xA;
	s6 =	sshll.u32 s4, $0x9  }
0xc: {  	[smem:$0x7FF] =	sst s3;
	s22 =	ssub.s32 $0x2, s4;
	s5 =	sor.u32 s6, s5  }
0xd: {  	_ =	strace $0x80000047;
	s24 =	sshrl.u32 s22, $0x1;
	s6 =	sshrl.u32 s5, $0x3  }
0xe: {  	s23 =	sshll.u32 s5, $0x5;
	s25 =	ssub.s32 s22, s24;
	s22 =	simm.s32 $0x4200  }
0xf: {  	s24 =	simm.s32 $0x5200;
	s0 =	sadd.s32 s6, s0;
	s4 =	sadd.s32 s2, s23  }
0x10: {  	s5 =	smax.u32 s25, $0x1;
	s6 =	simm.s32 $0x2;
	s23 =	simm.s32 $0x4A00  }
0x11: {  	v2 =	vlaneseq.u32;
	s25 =	simm.s32 $0x5A00;
	s0 =	sadd.s32 $0x1000, s0;
	[dreg:$0x6] =	wrdreg s4  }
0x12: {  	vm0 =	vmmov $0xffff;
	v1 =	vshrl.u32 v2, $0x3;
	s2 =	simm.s32 $0x9200;
	s26 =	sadd.s32 $0x2000, s4;
	[dreg:$0x4] =	wrdreg s0  }
0x13: {  	v0 =	vand.u32 $0x7, v2;
	v2 =	vor.u32 $0x8, v2;
	v1 =	vmul.u32 $0x8, v1;
	s4 =	simm.s32 $0x3200;
	[dreg:$0x5] =	wrdreg s26;
	s26 =	simm.s32 $0x6200  }
.LBB2_1:
0x14: {  	s15 =	rddreg [dreg:$0x4]  }
0x15: {  	[tilespmem:s3], [sflag:$0x2] =	stream.linear.gather [hbm4b:s15+s3], $0x200, $0x38;
	[tilespmem:$0x10200] =	vst v63  }
0x16: {  	_ =	swait.ge [sflag:s6], $0x200  }
0x17: {  	[sflag:s6] =	ssyncset.done $0x0  }
0x18: {  	[sflag:s6] =	ssyncadd.s32 $0xFFFFFE00  }
0x19: {  	v3 =	vld [tilespmem:$0x0];
	_ =	sdelay $0x4  }
0x1a: {  	v4 =	vshll.u32 v3, $0x1  }
0x1b: {  	v3 =	vand.u32 $0x7, v3;
	v4 =	vand.u32 $0xFFFFFFF0, v4  }
0x1c: {  	v3 =	vor.u32 v3, v4  }
0x1d: {  	v4 =	vperm.xlane v3, v0;
	_ =	sdelay $0x1  }
0x1e: {  	v3 =	vperm.xlane v3, v2;
	v4 =	vadd.s32 v1, v4;
	_ =	sdelay $0x1  }
0x1f: {  	v3 =	vadd.s32 v1, v3;
	_ =	sdelay $0x1  }
0x20: {  	s0 =	simm.s32 $0x200  }
0x21: {  	[tilespmem:s0], [sflag:$0x1] =	stream.indirect_vreg.gather [hbm4b:s1+s3], $0x80, v4, vm0, $0xb8;
	[tilespmem:$0x10200] =	vst v63  }
0x22: {  	s15 =	simm.s32 $0xA00  }
0x23: {  	[tilespmem:s15], [sflag:$0x1] =	stream.indirect_vreg.gather [hbm4b:s1+s3], $0x80, v3, vm0, $0xb8;
	[tilespmem:$0x10200] =	vst v63  }
0x24: {  	v3 =	vld [tilespmem:$0x10];
	_ =	sdelay $0x4  }
0x25: {  	v33 =	vshll.u32 v3, $0x1  }
0x26: {  	v3 =	vand.u32 $0x7, v3;
	v4 =	vand.u32 $0xFFFFFFF0, v33  }
0x27: {  	v3 =	vor.u32 v3, v4  }
0x28: {  	v4 =	vperm.xlane v3, v0;
	_ =	sdelay $0x1  }
0x29: {  	v3 =	vperm.xlane v3, v2;
	v4 =	vadd.s32 v1, v4;
	_ =	sdelay $0x1  }
0x2a: {  	v3 =	vadd.s32 v1, v3;
	_ =	sdelay $0x2  }
0x2b: {  	[tilespmem:s16], [sflag:$0x1] =	stream.indirect_vreg.gather [hbm4b:s1+s3], $0x80, v4, vm0, $0xb8;
	[tilespmem:$0x10200] =	vst v63  }
0x2c: {  	_ = 	snop  }
0x2d: {  	[tilespmem:s17], [sflag:$0x1] =	stream.indirect_vreg.gather [hbm4b:s1+s3], $0x80, v3, vm0, $0xb8;
	[tilespmem:$0x10200] =	vst v63  }
0x2e: {  	v3 =	vld [tilespmem:$0x20];
	_ =	sdelay $0x4  }
0x2f: {  	v34 =	vshll.u32 v3, $0x1  }
0x30: {  	v3 =	vand.u32 $0x7, v3;
	v4 =	vand.u32 $0xFFFFFFF0, v34  }
0x31: {  	v3 =	vor.u32 v3, v4  }
0x32: {  	v4 =	vperm.xlane v3, v0;
	_ =	sdelay $0x1  }
0x33: {  	v3 =	vperm.xlane v3, v2;
	v4 =	vadd.s32 v1, v4;
	_ =	sdelay $0x1  }
0x34: {  	v3 =	vadd.s32 v1, v3;
	_ =	sdelay $0x2  }
0x35: {  	[tilespmem:s18], [sflag:$0x1] =	stream.indirect_vreg.gather [hbm4b:s1+s3], $0x80, v4, vm0, $0xb8;
	[tilespmem:$0x10200] =	vst v63  }
0x36: {  	_ = 	snop  }
0x37: {  	[tilespmem:s19], [sflag:$0x1] =	stream.indirect_vreg.gather [hbm4b:s1+s3], $0x80, v3, vm0, $0xb8;
	[tilespmem:$0x10200] =	vst v63  }
0x38: {  	v3 =	vld [tilespmem:$0x30];
	_ =	sdelay $0x4  }
0x39: {  	v35 =	vshll.u32 v3, $0x1  }
0x3a: {  	v3 =	vand.u32 $0x7, v3;
	v4 =	vand.u32 $0xFFFFFFF0, v35  }
0x3b: {  	v3 =	vor.u32 v3, v4  }
0x3c: {  	v4 =	vperm.xlane v3, v0;
	_ =	sdelay $0x1  }
0x3d: {  	v3 =	vperm.xlane v3, v2;
	v4 =	vadd.s32 v1, v4;
	_ =	sdelay $0x1  }
0x3e: {  	v3 =	vadd.s32 v1, v3;
	_ =	sdelay $0x2  }
0x3f: {  	[tilespmem:s4], [sflag:$0x1] =	stream.indirect_vreg.gather [hbm4b:s1+s3], $0x80, v4, vm0, $0xb8;
	[tilespmem:$0x10200] =	vst v63  }
0x40: {  	_ = 	snop  }
0x41: {  	[tilespmem:s21], [sflag:$0x1] =	stream.indirect_vreg.gather [hbm4b:s1+s3], $0x80, v3, vm0, $0xb8;
	[tilespmem:$0x10200] =	vst v63  }
0x42: {  	v3 =	vld [tilespmem:$0x40];
	_ =	sdelay $0x4  }
0x43: {  	v36 =	vshll.u32 v3, $0x1  }
0x44: {  	v3 =	vand.u32 $0x7, v3;
	v4 =	vand.u32 $0xFFFFFFF0, v36  }
0x45: {  	v3 =	vor.u32 v3, v4  }
0x46: {  	v4 =	vperm.xlane v3, v0;
	_ =	sdelay $0x1  }
0x47: {  	v3 =	vperm.xlane v3, v2;
	v4 =	vadd.s32 v1, v4;
	_ =	sdelay $0x1  }
0x48: {  	v3 =	vadd.s32 v1, v3;
	_ =	sdelay $0x2  }
0x49: {  	[tilespmem:s22], [sflag:$0x1] =	stream.indirect_vreg.gather [hbm4b:s1+s3], $0x80, v4, vm0, $0xb8;
	[tilespmem:$0x10200] =	vst v63  }
0x4a: {  	_ = 	snop  }
0x4b: {  	[tilespmem:s23], [sflag:$0x1] =	stream.indirect_vreg.gather [hbm4b:s1+s3], $0x80, v3, vm0, $0xb8;
	[tilespmem:$0x10200] =	vst v63  }
0x4c: {  	v3 =	vld [tilespmem:$0x50];
	_ =	sdelay $0x4  }
0x4d: {  	v37 =	vshll.u32 v3, $0x1  }
0x4e: {  	v3 =	vand.u32 $0x7, v3;
	v4 =	vand.u32 $0xFFFFFFF0, v37  }
0x4f: {  	v3 =	vor.u32 v3, v4  }
0x50: {  	v4 =	vperm.xlane v3, v0;
	_ =	sdelay $0x1  }
0x51: {  	v3 =	vperm.xlane v3, v2;
	v4 =	vadd.s32 v1, v4;
	_ =	sdelay $0x1  }
0x52: {  	v3 =	vadd.s32 v1, v3;
	_ =	sdelay $0x2  }
0x53: {  	[tilespmem:s24], [sflag:$0x1] =	stream.indirect_vreg.gather [hbm4b:s1+s3], $0x80, v4, vm0, $0xb8;
	[tilespmem:$0x10200] =	vst v63  }
0x54: {  	_ = 	snop  }
0x55: {  	[tilespmem:s25], [sflag:$0x1] =	stream.indirect_vreg.gather [hbm4b:s1+s3], $0x80, v3, vm0, $0xb8;
	[tilespmem:$0x10200] =	vst v63  }
0x56: {  	v3 =	vld [tilespmem:$0x60];
	_ =	sdelay $0x4  }
0x57: {  	v38 =	vshll.u32 v3, $0x1  }
0x58: {  	v3 =	vand.u32 $0x7, v3;
	v4 =	vand.u32 $0xFFFFFFF0, v38  }
0x59: {  	v3 =	vor.u32 v3, v4  }
0x5a: {  	v4 =	vperm.xlane v3, v0;
	_ =	sdelay $0x1  }
0x5b: {  	v3 =	vperm.xlane v3, v2;
	v4 =	vadd.s32 v1, v4;
	_ =	sdelay $0x1  }
0x5c: {  	v3 =	vadd.s32 v1, v3;
	_ =	sdelay $0x2  }
0x5d: {  	[tilespmem:s26], [sflag:$0x1] =	stream.indirect_vreg.gather [hbm4b:s1+s3], $0x80, v4, vm0, $0xb8;
	[tilespmem:$0x10200] =	vst v63  }
0x5e: {  	_ = 	snop  }
0x5f: {  	[tilespmem:s28], [sflag:$0x1] =	stream.indirect_vreg.gather [hbm4b:s1+s3], $0x80, v3, vm0, $0xb8;
	[tilespmem:$0x10200] =	vst v63  }
0x60: {  	v3 =	vld [tilespmem:$0x70];
	_ =	sdelay $0x4  }
0x61: {  	v39 =	vshll.u32 v3, $0x1  }
0x62: {  	v3 =	vand.u32 $0x7, v3;
	v4 =	vand.u32 $0xFFFFFFF0, v39  }
0x63: {  	v3 =	vor.u32 v3, v4  }
0x64: {  	v4 =	vperm.xlane v3, v0;
	_ =	sdelay $0x1  }
0x65: {  	v3 =	vperm.xlane v3, v2;
	v4 =	vadd.s32 v1, v4;
	_ =	sdelay $0x1  }
0x66: {  	v3 =	vadd.s32 v1, v3;
	_ =	sdelay $0x2  }
0x67: {  	[tilespmem:s29], [sflag:$0x1] =	stream.indirect_vreg.gather [hbm4b:s1+s3], $0x80, v4, vm0, $0xb8;
	[tilespmem:$0x10200] =	vst v63  }
0x68: {  	_ = 	snop  }
0x69: {  	[tilespmem:s30], [sflag:$0x1] =	stream.indirect_vreg.gather [hbm4b:s1+s3], $0x80, v3, vm0, $0xb8;
	[tilespmem:$0x10200] =	vst v63  }
0x6a: {  	v3 =	vld [tilespmem:$0x80];
	_ =	sdelay $0x4  }
0x6b: {  	v40 =	vshll.u32 v3, $0x1  }
0x6c: {  	v3 =	vand.u32 $0x7, v3;
	v4 =	vand.u32 $0xFFFFFFF0, v40  }
0x6d: {  	v3 =	vor.u32 v3, v4  }
0x6e: {  	v4 =	vperm.xlane v3, v0;
	_ =	sdelay $0x1  }
0x6f: {  	v3 =	vperm.xlane v3, v2;
	v4 =	vadd.s32 v1, v4;
	_ =	sdelay $0x1  }
0x70: {  	v3 =	vadd.s32 v1, v3;
	_ =	sdelay $0x2  }
0x71: {  	[tilespmem:s31], [sflag:$0x1] =	stream.indirect_vreg.gather [hbm4b:s1+s3], $0x80, v4, vm0, $0xb8;
	[tilespmem:$0x10200] =	vst v63  }
0x72: {  	s20 =	simm.s32 $0x8A00  }
0x73: {  	[tilespmem:s20], [sflag:$0x1] =	stream.indirect_vreg.gather [hbm4b:s1+s3], $0x80, v3, vm0, $0xb8;
	[tilespmem:$0x10200] =	vst v63  }
0x74: {  	v3 =	vld [tilespmem:$0x90];
	_ =	sdelay $0x4  }
0x75: {  	v41 =	vshll.u32 v3, $0x1  }
0x76: {  	v3 =	vand.u32 $0x7, v3;
	v4 =	vand.u32 $0xFFFFFFF0, v41  }
0x77: {  	v3 =	vor.u32 v3, v4  }
0x78: {  	v4 =	vperm.xlane v3, v0;
	_ =	sdelay $0x1  }
0x79: {  	v3 =	vperm.xlane v3, v2;
	v4 =	vadd.s32 v1, v4;
	_ =	sdelay $0x1  }
0x7a: {  	v3 =	vadd.s32 v1, v3;
	_ =	sdelay $0x2  }
0x7b: {  	[tilespmem:s2], [sflag:$0x1] =	stream.indirect_vreg.gather [hbm4b:s1+s3], $0x80, v4, vm0, $0xb8;
	[tilespmem:$0x10200] =	vst v63  }
0x7c: {  	_ = 	snop  }
0x7d: {  	[tilespmem:s8], [sflag:$0x1] =	stream.indirect_vreg.gather [hbm4b:s1+s3], $0x80, v3, vm0, $0xb8;
	[tilespmem:$0x10200] =	vst v63  }
0x7e: {  	v3 =	vld [tilespmem:$0xA0];
	_ =	sdelay $0x4  }
0x7f: {  	v42 =	vshll.u32 v3, $0x1  }
0x80: {  	v3 =	vand.u32 $0x7, v3;
	v4 =	vand.u32 $0xFFFFFFF0, v42  }
0x81: {  	v3 =	vor.u32 v3, v4  }
0x82: {  	v4 =	vperm.xlane v3, v0;
	_ =	sdelay $0x1  }
0x83: {  	v3 =	vperm.xlane v3, v2;
	v4 =	vadd.s32 v1, v4;
	_ =	sdelay $0x1  }
0x84: {  	v3 =	vadd.s32 v1, v3;
	_ =	sdelay $0x2  }
0x85: {  	[tilespmem:s9], [sflag:$0x1] =	stream.indirect_vreg.gather [hbm4b:s1+s3], $0x80, v4, vm0, $0xb8;
	[tilespmem:$0x10200] =	vst v63  }
0x86: {  	_ = 	snop  }
0x87: {  	[tilespmem:s10], [sflag:$0x1] =	stream.indirect_vreg.gather [hbm4b:s1+s3], $0x80, v3, vm0, $0xb8;
	[tilespmem:$0x10200] =	vst v63  }
0x88: {  	v3 =	vld [tilespmem:$0xB0];
	_ =	sdelay $0x4  }
0x89: {  	v43 =	vshll.u32 v3, $0x1  }
0x8a: {  	v3 =	vand.u32 $0x7, v3;
	v4 =	vand.u32 $0xFFFFFFF0, v43  }
0x8b: {  	v3 =	vor.u32 v3, v4  }
0x8c: {  	v4 =	vperm.xlane v3, v0;
	_ =	sdelay $0x1  }
0x8d: {  	v3 =	vperm.xlane v3, v2;
	v4 =	vadd.s32 v1, v4;
	_ =	sdelay $0x1  }
0x8e: {  	v3 =	vadd.s32 v1, v3;
	_ =	sdelay $0x2  }
0x8f: {  	[tilespmem:s11], [sflag:$0x1] =	stream.indirect_vreg.gather [hbm4b:s1+s3], $0x80, v4, vm0, $0xb8;
	[tilespmem:$0x10200] =	vst v63  }
0x90: {  	_ = 	snop  }
0x91: {  	[tilespmem:s12], [sflag:$0x1] =	stream.indirect_vreg.gather [hbm4b:s1+s3], $0x80, v3, vm0, $0xb8;
	[tilespmem:$0x10200] =	vst v63  }
0x92: {  	v3 =	vld [tilespmem:$0xC0];
	_ =	sdelay $0x4  }
0x93: {  	v44 =	vshll.u32 v3, $0x1  }
0x94: {  	v3 =	vand.u32 $0x7, v3;
	v4 =	vand.u32 $0xFFFFFFF0, v44  }
0x95: {  	v3 =	vor.u32 v3, v4  }
0x96: {  	v4 =	vperm.xlane v3, v0;
	_ =	sdelay $0x1  }
0x97: {  	v3 =	vperm.xlane v3, v2;
	v4 =	vadd.s32 v1, v4;
	_ =	sdelay $0x1  }
0x98: {  	v3 =	vadd.s32 v1, v3;
	_ =	sdelay $0x2  }
0x99: {  	[tilespmem:s13], [sflag:$0x1] =	stream.indirect_vreg.gather [hbm4b:s1+s3], $0x80, v4, vm0, $0xb8;
	[tilespmem:$0x10200] =	vst v63  }
0x9a: {  	_ = 	snop  }
0x9b: {  	[tilespmem:s7], [sflag:$0x1] =	stream.indirect_vreg.gather [hbm4b:s1+s3], $0x80, v3, vm0, $0xb8;
	[tilespmem:$0x10200] =	vst v63  }
0x9c: {  	v3 =	vld [tilespmem:$0xD0];
	_ =	sdelay $0x4  }
0x9d: {  	v45 =	vshll.u32 v3, $0x1  }
0x9e: {  	v3 =	vand.u32 $0x7, v3;
	v4 =	vand.u32 $0xFFFFFFF0, v45  }
0x9f: {  	v3 =	vor.u32 v3, v4  }
0xa0: {  	v4 =	vperm.xlane v3, v0;
	_ =	sdelay $0x1  }
0xa1: {  	v3 =	vperm.xlane v3, v2;
	v4 =	vadd.s32 v1, v4;
	_ =	sdelay $0x1  }
0xa2: {  	v3 =	vadd.s32 v1, v3;
	_ =	sdelay $0x1  }
0xa3: {  	s20 =	simm.s32 $0xD200  }
0xa4: {  	[tilespmem:s20], [sflag:$0x1] =	stream.indirect_vreg.gather [hbm4b:s1+s3], $0x80, v4, vm0, $0xb8;
	[tilespmem:$0x10200] =	vst v63  }
0xa5: {  	s20 =	simm.s32 $0xDA00  }
0xa6: {  	[tilespmem:s20], [sflag:$0x1] =	stream.indirect_vreg.gather [hbm4b:s1+s3], $0x80, v3, vm0, $0xb8;
	[tilespmem:$0x10200] =	vst v63  }
0xa7: {  	v3 =	vld [tilespmem:$0xE0];
	_ =	sdelay $0x4  }
0xa8: {  	v46 =	vshll.u32 v3, $0x1  }
0xa9: {  	v3 =	vand.u32 $0x7, v3;
	v4 =	vand.u32 $0xFFFFFFF0, v46  }
0xaa: {  	v3 =	vor.u32 v3, v4  }
0xab: {  	v4 =	vperm.xlane v3, v0;
	_ =	sdelay $0x1  }
0xac: {  	v3 =	vperm.xlane v3, v2;
	v4 =	vadd.s32 v1, v4;
	_ =	sdelay $0x1  }
0xad: {  	v3 =	vadd.s32 v1, v3;
	_ =	sdelay $0x1  }
0xae: {  	s20 =	simm.s32 $0xE200  }
0xaf: {  	[tilespmem:s20], [sflag:$0x1] =	stream.indirect_vreg.gather [hbm4b:s1+s3], $0x80, v4, vm0, $0xb8;
	[tilespmem:$0x10200] =	vst v63  }
0xb0: {  	s20 =	simm.s32 $0xEA00  }
0xb1: {  	[tilespmem:s20], [sflag:$0x1] =	stream.indirect_vreg.gather [hbm4b:s1+s3], $0x80, v3, vm0, $0xb8;
	[tilespmem:$0x10200] =	vst v63  }
0xb2: {  	v3 =	vld [tilespmem:$0xF0];
	_ =	sdelay $0x4  }
0xb3: {  	v47 =	vshll.u32 v3, $0x1  }
0xb4: {  	v3 =	vand.u32 $0x7, v3;
	v4 =	vand.u32 $0xFFFFFFF0, v47  }
0xb5: {  	v3 =	vor.u32 v3, v4  }
0xb6: {  	v4 =	vperm.xlane v3, v0;
	_ =	sdelay $0x1  }
0xb7: {  	v3 =	vperm.xlane v3, v2;
	v4 =	vadd.s32 v1, v4;
	_ =	sdelay $0x1  }
0xb8: {  	v3 =	vadd.s32 v1, v3;
	_ =	sdelay $0x1  }
0xb9: {  	s20 =	simm.s32 $0xF200  }
0xba: {  	[tilespmem:s20], [sflag:$0x1] =	stream.indirect_vreg.gather [hbm4b:s1+s3], $0x80, v4, vm0, $0xb8;
	[tilespmem:$0x10200] =	vst v63  }
0xbb: {  	s20 =	simm.s32 $0xFA00  }
0xbc: {  	[tilespmem:s20], [sflag:$0x1] =	stream.indirect_vreg.gather [hbm4b:s1+s3], $0x80, v3, vm0, $0xb8;
	[tilespmem:$0x10200] =	vst v63  }
0xbd: {  	_ =	swait.ge [sflag:s14], $0x10000  }
0xbe: {  	[sflag:s14] =	ssyncset.done $0x0  }
0xbf: {  	s0 =	simm.s32 $0x200;
	s20 =	rddreg [dreg:$0x6];
	[sflag:s14] =	ssyncadd.s32 $0xFFFF0000  }
0xc0: {  	[hbm4b:s20+s3] =	stream.linear.scatter [tilespmem:s0], [sflag:$0x2], $0x10000, $0x38;
	[tilespmem:$0x10200] =	vst v63  }
0xc1: {  	_ =	swait.ge [sflag:s6], $0x10000  }
0xc2: {  	[sflag:s6] =	ssyncset.done $0x0  }
0xc3: {  	[sflag:s6] =	ssyncadd.s32 $0xFFFF0000  }
0xc4: {  	v3 =	vld [tilespmem:$0x100];
	_ =	sdelay $0x4  }
0xc5: {  	v48 =	vshll.u32 v3, $0x1  }
0xc6: {  	v3 =	vand.u32 $0x7, v3;
	v4 =	vand.u32 $0xFFFFFFF0, v48  }
0xc7: {  	v3 =	vor.u32 v3, v4  }
0xc8: {  	v4 =	vperm.xlane v3, v0;
	_ =	sdelay $0x1  }
0xc9: {  	v3 =	vperm.xlane v3, v2;
	v4 =	vadd.s32 v1, v4;
	_ =	sdelay $0x1  }
0xca: {  	v3 =	vadd.s32 v1, v3;
	_ =	sdelay $0x2  }
0xcb: {  	[tilespmem:s0], [sflag:$0x1] =	stream.indirect_vreg.gather [hbm4b:s1+s3], $0x80, v4, vm0, $0xb8;
	[tilespmem:$0x10200] =	vst v63  }
0xcc: {  	_ = 	snop  }
0xcd: {  	[tilespmem:s15], [sflag:$0x1] =	stream.indirect_vreg.gather [hbm4b:s1+s3], $0x80, v3, vm0, $0xb8;
	[tilespmem:$0x10200] =	vst v63  }
0xce: {  	v3 =	vld [tilespmem:$0x110];
	_ =	sdelay $0x4  }
0xcf: {  	v49 =	vshll.u32 v3, $0x1  }
0xd0: {  	v3 =	vand.u32 $0x7, v3;
	v4 =	vand.u32 $0xFFFFFFF0, v49  }
0xd1: {  	v3 =	vor.u32 v3, v4  }
0xd2: {  	v4 =	vperm.xlane v3, v0;
	_ =	sdelay $0x1  }
0xd3: {  	v3 =	vperm.xlane v3, v2;
	v4 =	vadd.s32 v1, v4;
	_ =	sdelay $0x1  }
0xd4: {  	v3 =	vadd.s32 v1, v3;
	_ =	sdelay $0x2  }
0xd5: {  	[tilespmem:s16], [sflag:$0x1] =	stream.indirect_vreg.gather [hbm4b:s1+s3], $0x80, v4, vm0, $0xb8;
	[tilespmem:$0x10200] =	vst v63  }
0xd6: {  	_ = 	snop  }
0xd7: {  	[tilespmem:s17], [sflag:$0x1] =	stream.indirect_vreg.gather [hbm4b:s1+s3], $0x80, v3, vm0, $0xb8;
	[tilespmem:$0x10200] =	vst v63  }
0xd8: {  	v3 =	vld [tilespmem:$0x120];
	_ =	sdelay $0x4  }
0xd9: {  	v50 =	vshll.u32 v3, $0x1  }
0xda: {  	v3 =	vand.u32 $0x7, v3;
	v4 =	vand.u32 $0xFFFFFFF0, v50  }
0xdb: {  	v3 =	vor.u32 v3, v4  }
0xdc: {  	v4 =	vperm.xlane v3, v0;
	_ =	sdelay $0x1  }
0xdd: {  	v3 =	vperm.xlane v3, v2;
	v4 =	vadd.s32 v1, v4;
	_ =	sdelay $0x1  }
0xde: {  	v3 =	vadd.s32 v1, v3;
	_ =	sdelay $0x2  }
0xdf: {  	[tilespmem:s18], [sflag:$0x1] =	stream.indirect_vreg.gather [hbm4b:s1+s3], $0x80, v4, vm0, $0xb8;
	[tilespmem:$0x10200] =	vst v63  }
0xe0: {  	_ = 	snop  }
0xe1: {  	[tilespmem:s19], [sflag:$0x1] =	stream.indirect_vreg.gather [hbm4b:s1+s3], $0x80, v3, vm0, $0xb8;
	[tilespmem:$0x10200] =	vst v63  }
0xe2: {  	v3 =	vld [tilespmem:$0x130];
	_ =	sdelay $0x4  }
0xe3: {  	v51 =	vshll.u32 v3, $0x1  }
0xe4: {  	v3 =	vand.u32 $0x7, v3;
	v4 =	vand.u32 $0xFFFFFFF0, v51  }
0xe5: {  	v3 =	vor.u32 v3, v4  }
0xe6: {  	v4 =	vperm.xlane v3, v0;
	_ =	sdelay $0x1  }
0xe7: {  	v3 =	vperm.xlane v3, v2;
	v4 =	vadd.s32 v1, v4;
	_ =	sdelay $0x1  }
0xe8: {  	v3 =	vadd.s32 v1, v3;
	_ =	sdelay $0x2  }
0xe9: {  	[tilespmem:s4], [sflag:$0x1] =	stream.indirect_vreg.gather [hbm4b:s1+s3], $0x80, v4, vm0, $0xb8;
	[tilespmem:$0x10200] =	vst v63  }
0xea: {  	_ = 	snop  }
0xeb: {  	[tilespmem:s21], [sflag:$0x1] =	stream.indirect_vreg.gather [hbm4b:s1+s3], $0x80, v3, vm0, $0xb8;
	[tilespmem:$0x10200] =	vst v63  }
0xec: {  	v3 =	vld [tilespmem:$0x140];
	_ =	sdelay $0x4  }
0xed: {  	v52 =	vshll.u32 v3, $0x1  }
0xee: {  	v3 =	vand.u32 $0x7, v3;
	v4 =	vand.u32 $0xFFFFFFF0, v52  }
0xef: {  	v3 =	vor.u32 v3, v4  }
0xf0: {  	v4 =	vperm.xlane v3, v0;
	_ =	sdelay $0x1  }
0xf1: {  	v3 =	vperm.xlane v3, v2;
	v4 =	vadd.s32 v1, v4;
	_ =	sdelay $0x1  }
0xf2: {  	v3 =	vadd.s32 v1, v3;
	_ =	sdelay $0x2  }
0xf3: {  	[tilespmem:s22], [sflag:$0x1] =	stream.indirect_vreg.gather [hbm4b:s1+s3], $0x80, v4, vm0, $0xb8;
	[tilespmem:$0x10200] =	vst v63  }
0xf4: {  	_ = 	snop  }
0xf5: {  	[tilespmem:s23], [sflag:$0x1] =	stream.indirect_vreg.gather [hbm4b:s1+s3], $0x80, v3, vm0, $0xb8;
	[tilespmem:$0x10200] =	vst v63  }
0xf6: {  	v3 =	vld [tilespmem:$0x150];
	_ =	sdelay $0x4  }
0xf7: {  	v53 =	vshll.u32 v3, $0x1  }
0xf8: {  	v3 =	vand.u32 $0x7, v3;
	v4 =	vand.u32 $0xFFFFFFF0, v53  }
0xf9: {  	v3 =	vor.u32 v3, v4  }
0xfa: {  	v4 =	vperm.xlane v3, v0;
	_ =	sdelay $0x1  }
0xfb: {  	v3 =	vperm.xlane v3, v2;
	v4 =	vadd.s32 v1, v4;
	_ =	sdelay $0x1  }
0xfc: {  	v3 =	vadd.s32 v1, v3;
	_ =	sdelay $0x2  }
0xfd: {  	[tilespmem:s24], [sflag:$0x1] =	stream.indirect_vreg.gather [hbm4b:s1+s3], $0x80, v4, vm0, $0xb8;
	[tilespmem:$0x10200] =	vst v63  }
0xfe: {  	_ = 	snop  }
0xff: {  	[tilespmem:s25], [sflag:$0x1] =	stream.indirect_vreg.gather [hbm4b:s1+s3], $0x80, v3, vm0, $0xb8;
	[tilespmem:$0x10200] =	vst v63  }
0x100: {  	v3 =	vld [tilespmem:$0x160];
	_ =	sdelay $0x4  }
0x101: {  	v54 =	vshll.u32 v3, $0x1  }
0x102: {  	v3 =	vand.u32 $0x7, v3;
	v4 =	vand.u32 $0xFFFFFFF0, v54  }
0x103: {  	v3 =	vor.u32 v3, v4  }
0x104: {  	v4 =	vperm.xlane v3, v0;
	_ =	sdelay $0x1  }
0x105: {  	v3 =	vperm.xlane v3, v2;
	v4 =	vadd.s32 v1, v4;
	_ =	sdelay $0x1  }
0x106: {  	v3 =	vadd.s32 v1, v3;
	_ =	sdelay $0x2  }
0x107: {  	[tilespmem:s26], [sflag:$0x1] =	stream.indirect_vreg.gather [hbm4b:s1+s3], $0x80, v4, vm0, $0xb8;
	[tilespmem:$0x10200] =	vst v63  }
0x108: {  	_ = 	snop  }
0x109: {  	[tilespmem:s28], [sflag:$0x1] =	stream.indirect_vreg.gather [hbm4b:s1+s3], $0x80, v3, vm0, $0xb8;
	[tilespmem:$0x10200] =	vst v63  }
0x10a: {  	v3 =	vld [tilespmem:$0x170];
	_ =	sdelay $0x4  }
0x10b: {  	v55 =	vshll.u32 v3, $0x1  }
0x10c: {  	v3 =	vand.u32 $0x7, v3;
	v4 =	vand.u32 $0xFFFFFFF0, v55  }
0x10d: {  	v3 =	vor.u32 v3, v4  }
0x10e: {  	v4 =	vperm.xlane v3, v0;
	_ =	sdelay $0x1  }
0x10f: {  	v3 =	vperm.xlane v3, v2;
	v4 =	vadd.s32 v1, v4;
	_ =	sdelay $0x1  }
0x110: {  	v3 =	vadd.s32 v1, v3;
	_ =	sdelay $0x2  }
0x111: {  	[tilespmem:s29], [sflag:$0x1] =	stream.indirect_vreg.gather [hbm4b:s1+s3], $0x80, v4, vm0, $0xb8;
	[tilespmem:$0x10200] =	vst v63  }
0x112: {  	_ = 	snop  }
0x113: {  	[tilespmem:s30], [sflag:$0x1] =	stream.indirect_vreg.gather [hbm4b:s1+s3], $0x80, v3, vm0, $0xb8;
	[tilespmem:$0x10200] =	vst v63  }
0x114: {  	v3 =	vld [tilespmem:$0x180];
	_ =	sdelay $0x4  }
0x115: {  	v56 =	vshll.u32 v3, $0x1  }
0x116: {  	v3 =	vand.u32 $0x7, v3;
	v4 =	vand.u32 $0xFFFFFFF0, v56  }
0x117: {  	v3 =	vor.u32 v3, v4  }
0x118: {  	v4 =	vperm.xlane v3, v0;
	_ =	sdelay $0x1  }
0x119: {  	v3 =	vperm.xlane v3, v2;
	v4 =	vadd.s32 v1, v4;
	_ =	sdelay $0x1  }
0x11a: {  	v3 =	vadd.s32 v1, v3;
	_ =	sdelay $0x2  }
0x11b: {  	[tilespmem:s31], [sflag:$0x1] =	stream.indirect_vreg.gather [hbm4b:s1+s3], $0x80, v4, vm0, $0xb8;
	[tilespmem:$0x10200] =	vst v63  }
0x11c: {  	s15 =	simm.s32 $0x8A00  }
0x11d: {  	[tilespmem:s15], [sflag:$0x1] =	stream.indirect_vreg.gather [hbm4b:s1+s3], $0x80, v3, vm0, $0xb8;
	[tilespmem:$0x10200] =	vst v63  }
0x11e: {  	v3 =	vld [tilespmem:$0x190];
	_ =	sdelay $0x4  }
0x11f: {  	v57 =	vshll.u32 v3, $0x1  }
0x120: {  	v3 =	vand.u32 $0x7, v3;
	v4 =	vand.u32 $0xFFFFFFF0, v57  }
0x121: {  	v3 =	vor.u32 v3, v4  }
0x122: {  	v4 =	vperm.xlane v3, v0;
	_ =	sdelay $0x1  }
0x123: {  	v3 =	vperm.xlane v3, v2;
	v4 =	vadd.s32 v1, v4;
	_ =	sdelay $0x1  }
0x124: {  	v3 =	vadd.s32 v1, v3;
	_ =	sdelay $0x2  }
0x125: {  	[tilespmem:s2], [sflag:$0x1] =	stream.indirect_vreg.gather [hbm4b:s1+s3], $0x80, v4, vm0, $0xb8;
	[tilespmem:$0x10200] =	vst v63  }
0x126: {  	_ = 	snop  }
0x127: {  	[tilespmem:s8], [sflag:$0x1] =	stream.indirect_vreg.gather [hbm4b:s1+s3], $0x80, v3, vm0, $0xb8;
	[tilespmem:$0x10200] =	vst v63  }
0x128: {  	v3 =	vld [tilespmem:$0x1A0];
	_ =	sdelay $0x4  }
0x129: {  	v58 =	vshll.u32 v3, $0x1  }
0x12a: {  	v3 =	vand.u32 $0x7, v3;
	v4 =	vand.u32 $0xFFFFFFF0, v58  }
0x12b: {  	v3 =	vor.u32 v3, v4  }
0x12c: {  	v4 =	vperm.xlane v3, v0;
	_ =	sdelay $0x1  }
0x12d: {  	v3 =	vperm.xlane v3, v2;
	v4 =	vadd.s32 v1, v4;
	_ =	sdelay $0x1  }
0x12e: {  	v3 =	vadd.s32 v1, v3;
	_ =	sdelay $0x2  }
0x12f: {  	[tilespmem:s9], [sflag:$0x1] =	stream.indirect_vreg.gather [hbm4b:s1+s3], $0x80, v4, vm0, $0xb8;
	[tilespmem:$0x10200] =	vst v63  }
0x130: {  	_ = 	snop  }
0x131: {  	[tilespmem:s10], [sflag:$0x1] =	stream.indirect_vreg.gather [hbm4b:s1+s3], $0x80, v3, vm0, $0xb8;
	[tilespmem:$0x10200] =	vst v63  }
0x132: {  	v3 =	vld [tilespmem:$0x1B0];
	_ =	sdelay $0x4  }
0x133: {  	v59 =	vshll.u32 v3, $0x1  }
0x134: {  	v3 =	vand.u32 $0x7, v3;
	v4 =	vand.u32 $0xFFFFFFF0, v59  }
0x135: {  	v3 =	vor.u32 v3, v4  }
0x136: {  	v4 =	vperm.xlane v3, v0;
	_ =	sdelay $0x1  }
0x137: {  	v3 =	vperm.xlane v3, v2;
	v4 =	vadd.s32 v1, v4;
	_ =	sdelay $0x1  }
0x138: {  	v3 =	vadd.s32 v1, v3;
	_ =	sdelay $0x2  }
0x139: {  	[tilespmem:s11], [sflag:$0x1] =	stream.indirect_vreg.gather [hbm4b:s1+s3], $0x80, v4, vm0, $0xb8;
	[tilespmem:$0x10200] =	vst v63  }
0x13a: {  	_ = 	snop  }
0x13b: {  	[tilespmem:s12], [sflag:$0x1] =	stream.indirect_vreg.gather [hbm4b:s1+s3], $0x80, v3, vm0, $0xb8;
	[tilespmem:$0x10200] =	vst v63  }
0x13c: {  	v3 =	vld [tilespmem:$0x1C0];
	_ =	sdelay $0x4  }
0x13d: {  	v60 =	vshll.u32 v3, $0x1  }
0x13e: {  	v3 =	vand.u32 $0x7, v3;
	v4 =	vand.u32 $0xFFFFFFF0, v60  }
0x13f: {  	v3 =	vor.u32 v3, v4  }
0x140: {  	v4 =	vperm.xlane v3, v0;
	_ =	sdelay $0x1  }
0x141: {  	v3 =	vperm.xlane v3, v2;
	v4 =	vadd.s32 v1, v4;
	_ =	sdelay $0x1  }
0x142: {  	v3 =	vadd.s32 v1, v3;
	_ =	sdelay $0x2  }
0x143: {  	[tilespmem:s13], [sflag:$0x1] =	stream.indirect_vreg.gather [hbm4b:s1+s3], $0x80, v4, vm0, $0xb8;
	[tilespmem:$0x10200] =	vst v63  }
0x144: {  	_ = 	snop  }
0x145: {  	[tilespmem:s7], [sflag:$0x1] =	stream.indirect_vreg.gather [hbm4b:s1+s3], $0x80, v3, vm0, $0xb8;
	[tilespmem:$0x10200] =	vst v63  }
0x146: {  	v3 =	vld [tilespmem:$0x1D0];
	_ =	sdelay $0x4  }
0x147: {  	v61 =	vshll.u32 v3, $0x1  }
0x148: {  	v3 =	vand.u32 $0x7, v3;
	v4 =	vand.u32 $0xFFFFFFF0, v61  }
0x149: {  	v3 =	vor.u32 v3, v4  }
0x14a: {  	v4 =	vperm.xlane v3, v0;
	_ =	sdelay $0x1  }
0x14b: {  	v3 =	vperm.xlane v3, v2;
	v4 =	vadd.s32 v1, v4;
	_ =	sdelay $0x1  }
0x14c: {  	v3 =	vadd.s32 v1, v3;
	_ =	sdelay $0x1  }
0x14d: {  	s15 =	simm.s32 $0xD200  }
0x14e: {  	[tilespmem:s15], [sflag:$0x1] =	stream.indirect_vreg.gather [hbm4b:s1+s3], $0x80, v4, vm0, $0xb8;
	[tilespmem:$0x10200] =	vst v63  }
0x14f: {  	s15 =	simm.s32 $0xDA00  }
0x150: {  	[tilespmem:s15], [sflag:$0x1] =	stream.indirect_vreg.gather [hbm4b:s1+s3], $0x80, v3, vm0, $0xb8;
	[tilespmem:$0x10200] =	vst v63  }
0x151: {  	v3 =	vld [tilespmem:$0x1E0];
	_ =	sdelay $0x4  }
0x152: {  	v62 =	vshll.u32 v3, $0x1  }
0x153: {  	v3 =	vand.u32 $0x7, v3;
	v4 =	vand.u32 $0xFFFFFFF0, v62  }
0x154: {  	v3 =	vor.u32 v3, v4  }
0x155: {  	v4 =	vperm.xlane v3, v0;
	_ =	sdelay $0x1  }
0x156: {  	v3 =	vperm.xlane v3, v2;
	v4 =	vadd.s32 v1, v4;
	_ =	sdelay $0x1  }
0x157: {  	v3 =	vadd.s32 v1, v3;
	_ =	sdelay $0x1  }
0x158: {  	s15 =	simm.s32 $0xE200  }
0x159: {  	[tilespmem:s15], [sflag:$0x1] =	stream.indirect_vreg.gather [hbm4b:s1+s3], $0x80, v4, vm0, $0xb8;
	[tilespmem:$0x10200] =	vst v63  }
0x15a: {  	s15 =	simm.s32 $0xEA00  }
0x15b: {  	[tilespmem:s15], [sflag:$0x1] =	stream.indirect_vreg.gather [hbm4b:s1+s3], $0x80, v3, vm0, $0xb8;
	[tilespmem:$0x10200] =	vst v63  }
0x15c: {  	v3 =	vld [tilespmem:$0x1F0];
	_ =	sdelay $0x4  }
0x15d: {  	v63 =	vshll.u32 v3, $0x1  }
0x15e: {  	v3 =	vand.u32 $0x7, v3;
	v4 =	vand.u32 $0xFFFFFFF0, v63  }
0x15f: {  	v3 =	vor.u32 v3, v4  }
0x160: {  	v4 =	vperm.xlane v3, v0;
	_ =	sdelay $0x1  }
0x161: {  	v3 =	vperm.xlane v3, v2;
	v4 =	vadd.s32 v1, v4;
	_ =	sdelay $0x1  }
0x162: {  	v3 =	vadd.s32 v1, v3;
	_ =	sdelay $0x1  }
0x163: {  	s15 =	simm.s32 $0xF200  }
0x164: {  	[tilespmem:s15], [sflag:$0x1] =	stream.indirect_vreg.gather [hbm4b:s1+s3], $0x80, v4, vm0, $0xb8;
	[tilespmem:$0x10200] =	vst v63  }
0x165: {  	s15 =	simm.s32 $0xFA00  }
0x166: {  	[tilespmem:s15], [sflag:$0x1] =	stream.indirect_vreg.gather [hbm4b:s1+s3], $0x80, v3, vm0, $0xb8;
	[tilespmem:$0x10200] =	vst v63  }
0x167: {  	_ =	swait.ge [sflag:s14], $0x10000  }
0x168: {  	p0 =	sne.s32 s5, $0x1;
	s20 =	simm.s32 $0x200;
	[sflag:s14] =	ssyncset.done $0x0  }
.Ltmp0:
0x169: {  	s0 =	rddreg [dreg:$0x5];
	[sflag:s14] =	ssyncadd.s32 $0xFFFF0000;
	(pc) =	sbr.rel @p0 .LBB2_1-.Ltmp0, $4  }
0x16a: {  	[hbm4b:s0+s3] =	stream.linear.scatter [tilespmem:s20], [sflag:$0x2], $0x10000, $0x38;
	[tilespmem:$0x10200] =	vst v63  }
0x16b: {  	_ =	swait.ge [sflag:s6], $0x10000  }
0x16c: {  	[sflag:s6] =	ssyncset.done $0x0  }
0x16d: {  	s5 =	sadd.s32 $0xFFFFFFFF, s5;
	[sflag:s6] =	ssyncadd.s32 $0xFFFF0000  }
0x16e: {  	_ =	sfence.sel $0x180000  }
0x16f: {  	[bflag:$0x0] =	sbarrier.arrive $0xFFFF  }
0x170: {  	_ =	strace $0x90000047  }
0x171: {  	s0 =	stileid.u32;
	[bflag:$0x2] =	sbarrier.arrive $0xFFFF  }
0x172: {  	p0 =	sne.s32 s0, $0x0;
	s0 =	rddreg [dreg:$0x3]  }
0x173: {  	s0 =	sadd.s32 @!p0 $0x100000, s0  }
0x174: {  	[sflag:s0] =	ssyncadd.tile.s32 @!p0 $0x1;
	_ =	shalt  }
.Lfunc_end2:
_tile_overlayer_lowered:
.L_overlay_start_2:
0x175: {  	(tag) =	ssettag $0x2  }
0x176: {  	s0 =	rddreg [dreg:$0x0];
	s2 =	stileid.u32  }
0x177: {  	s1 =	rddreg [dreg:$0x1];
	p0 =	sne.s32 s2, $0x0  }
0x178: {  	s3 =	rddreg [dreg:$0x2];
	[bflag:$0x3] =	sbarrier.arrive $0xFFFF;
	s2 =	simm.s32 @!p0 $0x1C02  }
0x179: {  	[timem:s3], [sflag:s2] =	dma.local @!p0 [hbm:s0], s1  }
0x17a: {  	s0 =	simm.s32 @!p0 $0x2  }
0x17b: {  	_ =	swait.ge @!p0 [sflag:s0], s1  }
0x17c: {  	s1 =	ssub.s32 @!p0 $0x0, s1;
	[sflag:s0] =	ssyncset.done @!p0 $0x0  }
0x17d: {  	[sflag:s0] =	ssyncadd.s32 @!p0 s1  }
0x17e: {  	[bflag:$0x3] =	sbarrier.arrive $0xFFFF  }
0x17f: {  	_ =	shalt  }

</sc_bundles>
